<compile_context>
chip_gen: v7x
topology: tpu7x:2x2x1
jax: 0.10.2.dev20260603
libtpu: 0.0.44.dev20260713+nightly
codegen_flags: <defaults>
</compile_context>

<pallas_src>
import jax
import jax.numpy as jnp
from jax import lax
from jax.experimental import pallas as pl
from jax.experimental.pallas import tpu as pltpu
from jax.experimental.pallas import tpu_sc as plsc

D = 1024
SCALE = 32.0

NC = 2
NS = 16
NW = NC * NS

B = 4 * 8192
B_PER_W = B // NW
C = 16
N_CHUNKS = B_PER_W // C
NG = 4
NST = 3
N_OUTER = N_CHUNKS // NG


SPAT = (0, 1, 2, 1)


def _body(w_hbm, xi_hbm, out_hbm, idx_v, gbuf, sbuf,
          gsem0, gsem1, gsem2, gsem3, ssem0, ssem1, ssem2):
    wid = lax.axis_index("s") * NC + lax.axis_index("c")
    base = wid * B_PER_W
    pltpu.sync_copy(xi_hbm.at[pl.ds(base, B_PER_W)], idx_v)

    gsems = (gsem0, gsem1, gsem2, gsem3)
    ssems = (ssem0, ssem1, ssem2)

    def gslot(b):
        return gbuf.at[pl.ds(b * C, C)]

    def sslot(b):
        return sbuf.at[pl.ds(b * C, C)]

    def issue_gather(ci, b):
        pltpu.async_copy(w_hbm.at[idx_v.at[pl.ds(ci * C, C)]],
                         gslot(b), gsems[b])

    for b in range(NG):
        issue_gather(b, b)

    def outer_body(k, carry):
        for b in range(NG):
            ci = k * NG + b
            s = SPAT[b]
            pltpu.make_async_copy(w_hbm.at[pl.ds(0, C)], gslot(b),
                                  gsems[b]).wait()

            def wait_store():
                pltpu.make_async_copy(sslot(s), out_hbm.at[pl.ds(0, C)],
                                      ssems[s]).wait()

            if b < 3:
                @pl.when(k > 0)
                def _():
                    wait_store()
            else:
                wait_store()

            def row_body(i, c2):
                row = lax.shift_right_logical(i, 3)
                colb = pl.multiple_of(lax.shift_left(lax.bitwise_and(i, 7), 7), 128)
                for j in range(D // 128):
                    sl = (row, pl.ds(colb + j * 16, 16))
                    sslot(s)[sl] = gslot(b)[sl] * SCALE
                return c2

            lax.fori_loop(0, 8 * C, row_body, 0)

            @pl.when(k < N_OUTER - 1)
            def _():
                issue_gather(ci + NG, b)

            pltpu.async_copy(sslot(s), out_hbm.at[pl.ds(base + ci * C, C)],
                             ssems[s])
        return carry

    lax.fori_loop(0, N_OUTER, outer_body, 0)

    for s in range(NST):
        pltpu.make_async_copy(sslot(s), out_hbm.at[pl.ds(0, C)],
                              ssems[s]).wait()


@jax.jit
def kernel(x, W):
    xflat = x.reshape(-1)
    mesh = plsc.VectorSubcoreMesh(
        core_axis_name="c", subcore_axis_name="s", num_cores=NC, num_subcores=NS
    )
    out = pl.kernel(
        _body,
        out_type=jax.ShapeDtypeStruct((B, D), jnp.float32),
        mesh=mesh,
        scratch_types=[
            pltpu.VMEM((B_PER_W,), jnp.int32),
            pltpu.VMEM((NG * C, D), jnp.float32),
            pltpu.VMEM((NST * C, D), jnp.float32),
            pltpu.SemaphoreType.DMA,
            pltpu.SemaphoreType.DMA,
            pltpu.SemaphoreType.DMA,
            pltpu.SemaphoreType.DMA,
            pltpu.SemaphoreType.DMA,
            pltpu.SemaphoreType.DMA,
            pltpu.SemaphoreType.DMA,
        ],
    )(W, xflat)
    return out.reshape(x.shape[0], x.shape[1], D)

# --- scband reference (transcript-rebuilt; emitter-appended) ---
"""Pipeline reference for scband-input-embedding-65017214927435 (READ-ONLY COPY).

The authoritative reference and input builder live on the scoring server;
editing this copy changes nothing except your own understanding.
"""

import jax, jax.numpy as jnp
import numpy as np
import math

VOCAB = 100000
D_MODEL = 1024

def setup_inputs(seed: int = 0) -> dict:
    key = jax.random.key(seed)
    k1, k2 = jax.random.split(key)
    x = jax.random.randint(k1, (4, 8192), 0, VOCAB, dtype=jnp.int64 if jax.config.jax_enable_x64 else jnp.int32).astype(jnp.int32)
    W = jax.random.normal(k2, (VOCAB, D_MODEL), dtype=jnp.float32)
    return {"x": x, "W": W}

def reference(x, W):
    # nn.Embedding lookup followed by sqrt(d_model) scaling (standard transformer InputEmbedding)
    emb = jnp.take(W, x, axis=0)
    return emb * jnp.sqrt(jnp.float32(D_MODEL))

if __name__ == "__main__":
    import jax
    _d = setup_inputs()
    print(jax.jit(kernel)(*tuple(_d.values())))

</pallas_src>

<mosaic_0001>
#map = affine_map<(d0, d1) -> (0, 0)>
#map1 = affine_map<(d0, d1) -> (0)>
module attributes {stable_mosaic.version = 14 : i64} {
  func.func @_body(%arg0: i32, %arg1: i32, %arg2: memref<100000x1024xf32, #tpu.memory_space<hbm>>, %arg3: memref<32768xi32, #tpu.memory_space<hbm>>, %arg4: memref<32768x1024xf32, #tpu.memory_space<hbm>>, %arg5: memref<1024xi32, #tpu.memory_space<vmem>>, %arg6: memref<64x1024xf32, #tpu.memory_space<vmem>>, %arg7: memref<48x1024xf32, #tpu.memory_space<vmem>>, %arg8: memref<!tpu.dma_semaphore, #tpu.memory_space<semaphore_mem>>, %arg9: memref<!tpu.dma_semaphore, #tpu.memory_space<semaphore_mem>>, %arg10: memref<!tpu.dma_semaphore, #tpu.memory_space<semaphore_mem>>, %arg11: memref<!tpu.dma_semaphore, #tpu.memory_space<semaphore_mem>>, %arg12: memref<!tpu.dma_semaphore, #tpu.memory_space<semaphore_mem>>, %arg13: memref<!tpu.dma_semaphore, #tpu.memory_space<semaphore_mem>>, %arg14: memref<!tpu.dma_semaphore, #tpu.memory_space<semaphore_mem>>) attributes {dimension_semantics = [#tpu.dimension_semantics<core_parallel>, #tpu.dimension_semantics<subcore_parallel>], iteration_bounds = array<i64: 2, 16>, scalar_prefetch = 0 : i64, scratch_operands = 10 : i64, tpu.core_type = #tpu.core_type<sc_vector_subcore>, window_params = [{transform_indices = #map}, {transform_indices = #map1}, {transform_indices = #map}]} {
    %mul3A = arith.constant 2 : i32
    %mul3A_0 = arith.muli %arg1, %mul3A : i32
    %add3A = arith.addi %mul3A_0, %arg0 : i32
    %mul3A_1 = arith.constant 1024 : i32
    %mul3A_2 = arith.muli %add3A, %mul3A_1 : i32
    "tpu.region"() ({
      %run_scoped3A = tpu.sem_alloc : memref<!tpu.dma_semaphore, #tpu.memory_space<semaphore_mem>>
      %dma_start3A_74 = tpu.memref_slice %arg3[%mul3A_2] : memref<32768xi32, #tpu.memory_space<hbm>> -> memref<1024xi32, #tpu.memory_space<hbm>>
      %dma_start3A_75 = tpu.memref_slice %arg3[%mul3A_2] : memref<32768xi32, #tpu.memory_space<hbm>> -> memref<1024xi32, #tpu.memory_space<hbm>>
      tpu.enqueue_dma source(%dma_start3A_75 : memref<1024xi32, #tpu.memory_space<hbm>>) target(%arg5 : memref<1024xi32, #tpu.memory_space<vmem>>) target_semaphore(%run_scoped3A : memref<!tpu.dma_semaphore, #tpu.memory_space<semaphore_mem>>)
      %dma_wait3A_76 = tpu.memref_slice %arg3[%mul3A_2] : memref<32768xi32, #tpu.memory_space<hbm>> -> memref<1024xi32, #tpu.memory_space<hbm>>
      %dma_wait3A_77 = tpu.memref_slice %arg3[%mul3A_2] : memref<32768xi32, #tpu.memory_space<hbm>> -> memref<1024xi32, #tpu.memory_space<hbm>>
      tpu.wait_dma2 semaphore(%run_scoped3A : memref<!tpu.dma_semaphore, #tpu.memory_space<semaphore_mem>>) src(%dma_wait3A_77 : memref<1024xi32, #tpu.memory_space<hbm>>) dst(%arg5 : memref<1024xi32, #tpu.memory_space<vmem>>)
      tpu.yield
    }) : () -> ()
    %dma_start3A = arith.constant 0 : i32
    %dma_start3A_3 = arith.constant 0 : i32
    %dma_start3A_4 = tpu.memref_slice %arg6[%dma_start3A, %dma_start3A_3] : memref<64x1024xf32, #tpu.memory_space<vmem>> -> memref<16x1024xf32, #tpu.memory_space<vmem>>
    %dma_start3A_5 = arith.constant 0 : i32
    %dma_start3A_6 = tpu.memref_slice %arg5[%dma_start3A_5] : memref<1024xi32, #tpu.memory_space<vmem>> -> memref<16xi32, #tpu.memory_space<vmem>>
    %dma_start3A_7 = arith.constant 0 : i32
    %dma_start3A_8 = arith.constant 0 : i32
    %dma_start3A_9 = tpu.memref_slice %arg2[%dma_start3A_7, %dma_start3A_8] : memref<100000x1024xf32, #tpu.memory_space<hbm>> -> memref<100000x1024xf32, #tpu.memory_space<hbm>>
    tpu.enqueue_indirect_dma source(%dma_start3A_9 : memref<100000x1024xf32, #tpu.memory_space<hbm>>) target(%dma_start3A_4 : memref<16x1024xf32, #tpu.memory_space<vmem>>) offsets(%dma_start3A_6 : memref<16xi32, #tpu.memory_space<vmem>>) semaphore(%arg8 : memref<!tpu.dma_semaphore, #tpu.memory_space<semaphore_mem>>)
    %dma_start3A_10 = arith.constant 16 : i32
    %dma_start3A_11 = arith.constant 0 : i32
    %dma_start3A_12 = tpu.memref_slice %arg6[%dma_start3A_10, %dma_start3A_11] : memref<64x1024xf32, #tpu.memory_space<vmem>> -> memref<16x1024xf32, #tpu.memory_space<vmem>>
    %dma_start3A_13 = arith.constant 16 : i32
    %dma_start3A_14 = tpu.memref_slice %arg5[%dma_start3A_13] : memref<1024xi32, #tpu.memory_space<vmem>> -> memref<16xi32, #tpu.memory_space<vmem>>
    %dma_start3A_15 = arith.constant 0 : i32
    %dma_start3A_16 = arith.constant 0 : i32
    %dma_start3A_17 = tpu.memref_slice %arg2[%dma_start3A_15, %dma_start3A_16] : memref<100000x1024xf32, #tpu.memory_space<hbm>> -> memref<100000x1024xf32, #tpu.memory_space<hbm>>
    tpu.enqueue_indirect_dma source(%dma_start3A_17 : memref<100000x1024xf32, #tpu.memory_space<hbm>>) target(%dma_start3A_12 : memref<16x1024xf32, #tpu.memory_space<vmem>>) offsets(%dma_start3A_14 : memref<16xi32, #tpu.memory_space<vmem>>) semaphore(%arg9 : memref<!tpu.dma_semaphore, #tpu.memory_space<semaphore_mem>>)
    %dma_start3A_18 = arith.constant 32 : i32
    %dma_start3A_19 = arith.constant 0 : i32
    %dma_start3A_20 = tpu.memref_slice %arg6[%dma_start3A_18, %dma_start3A_19] : memref<64x1024xf32, #tpu.memory_space<vmem>> -> memref<16x1024xf32, #tpu.memory_space<vmem>>
    %dma_start3A_21 = arith.constant 32 : i32
    %dma_start3A_22 = tpu.memref_slice %arg5[%dma_start3A_21] : memref<1024xi32, #tpu.memory_space<vmem>> -> memref<16xi32, #tpu.memory_space<vmem>>
    %dma_start3A_23 = arith.constant 0 : i32
    %dma_start3A_24 = arith.constant 0 : i32
    %dma_start3A_25 = tpu.memref_slice %arg2[%dma_start3A_23, %dma_start3A_24] : memref<100000x1024xf32, #tpu.memory_space<hbm>> -> memref<100000x1024xf32, #tpu.memory_space<hbm>>
    tpu.enqueue_indirect_dma source(%dma_start3A_25 : memref<100000x1024xf32, #tpu.memory_space<hbm>>) target(%dma_start3A_20 : memref<16x1024xf32, #tpu.memory_space<vmem>>) offsets(%dma_start3A_22 : memref<16xi32, #tpu.memory_space<vmem>>) semaphore(%arg10 : memref<!tpu.dma_semaphore, #tpu.memory_space<semaphore_mem>>)
    %dma_start3A_26 = arith.constant 48 : i32
    %dma_start3A_27 = arith.constant 0 : i32
    %dma_start3A_28 = tpu.memref_slice %arg6[%dma_start3A_26, %dma_start3A_27] : memref<64x1024xf32, #tpu.memory_space<vmem>> -> memref<16x1024xf32, #tpu.memory_space<vmem>>
    %dma_start3A_29 = arith.constant 48 : i32
    %dma_start3A_30 = tpu.memref_slice %arg5[%dma_start3A_29] : memref<1024xi32, #tpu.memory_space<vmem>> -> memref<16xi32, #tpu.memory_space<vmem>>
    %dma_start3A_31 = arith.constant 0 : i32
    %dma_start3A_32 = arith.constant 0 : i32
    %dma_start3A_33 = tpu.memref_slice %arg2[%dma_start3A_31, %dma_start3A_32] : memref<100000x1024xf32, #tpu.memory_space<hbm>> -> memref<100000x1024xf32, #tpu.memory_space<hbm>>
    tpu.enqueue_indirect_dma source(%dma_start3A_33 : memref<100000x1024xf32, #tpu.memory_space<hbm>>) target(%dma_start3A_28 : memref<16x1024xf32, #tpu.memory_space<vmem>>) offsets(%dma_start3A_30 : memref<16xi32, #tpu.memory_space<vmem>>) semaphore(%arg11 : memref<!tpu.dma_semaphore, #tpu.memory_space<semaphore_mem>>)
    %scan3A = arith.constant 0 : i32
    %scan3A_34 = arith.constant 0 : i32
    %scan3A_35 = arith.constant 16 : i32
    %scan3A_36 = arith.addi %scan3A_34, %scan3A_35 : i32
    %scan3A_37 = arith.constant 1 : i32
    scf.for %scan3A_74 = %scan3A_34 to %scan3A_36 step %scan3A_37  : i32 {
      %mul3A_75 = arith.constant 4 : i32
      %mul3A_76 = arith.muli %scan3A_74, %mul3A_75 : i32
      %add3A_77 = arith.constant 0 : i32
      %add3A_78 = arith.addi %mul3A_76, %add3A_77 : i32
      %dma_wait3A_79 = arith.constant 0 : i32
      %dma_wait3A_80 = arith.constant 0 : i32
      %dma_wait3A_81 = tpu.memref_slice %arg6[%dma_wait3A_79, %dma_wait3A_80] : memref<64x1024xf32, #tpu.memory_space<vmem>> -> memref<16x1024xf32, #tpu.memory_space<vmem>>
      %dma_wait3A_82 = arith.constant 0 : i32
      %dma_wait3A_83 = arith.constant 0 : i32
      %dma_wait3A_84 = tpu.memref_slice %arg2[%dma_wait3A_82, %dma_wait3A_83] : memref<100000x1024xf32, #tpu.memory_space<hbm>> -> memref<16x1024xf32, #tpu.memory_space<hbm>>
      %dma_wait3A_85 = arith.constant 0 : i32
      %dma_wait3A_86 = arith.constant 0 : i32
      %dma_wait3A_87 = tpu.memref_slice %arg6[%dma_wait3A_85, %dma_wait3A_86] : memref<64x1024xf32, #tpu.memory_space<vmem>> -> memref<16x1024xf32, #tpu.memory_space<vmem>>
      %dma_wait3A_88 = arith.constant 0 : i32
      %dma_wait3A_89 = arith.constant 0 : i32
      %dma_wait3A_90 = tpu.memref_slice %arg2[%dma_wait3A_88, %dma_wait3A_89] : memref<100000x1024xf32, #tpu.memory_space<hbm>> -> memref<16x1024xf32, #tpu.memory_space<hbm>>
      tpu.wait_dma2 semaphore(%arg8 : memref<!tpu.dma_semaphore, #tpu.memory_space<semaphore_mem>>) src(%dma_wait3A_90 : memref<16x1024xf32, #tpu.memory_space<hbm>>) dst(%dma_wait3A_87 : memref<16x1024xf32, #tpu.memory_space<vmem>>)
      %gt3A = arith.constant 0 : i32
      %gt3A_91 = arith.cmpi sgt, %scan3A_74, %gt3A : i32
      %convert_element_type3A = arith.extui %gt3A_91 : i1 to i32
      %cond3A = arith.constant 0 : i32
      %cond3A_92 = arith.cmpi ne, %convert_element_type3A, %cond3A : i32
      scf.if %cond3A_92 {
        %dma_wait3A_258 = arith.constant 0 : i32
        %dma_wait3A_259 = arith.constant 0 : i32
        %dma_wait3A_260 = tpu.memref_slice %arg7[%dma_wait3A_258, %dma_wait3A_259] : memref<48x1024xf32, #tpu.memory_space<vmem>> -> memref<16x1024xf32, #tpu.memory_space<vmem>>
        %dma_wait3A_261 = arith.constant 0 : i32
        %dma_wait3A_262 = arith.constant 0 : i32
        %dma_wait3A_263 = tpu.memref_slice %arg4[%dma_wait3A_261, %dma_wait3A_262] : memref<32768x1024xf32, #tpu.memory_space<hbm>> -> memref<16x1024xf32, #tpu.memory_space<hbm>>
        %dma_wait3A_264 = arith.constant 0 : i32
        %dma_wait3A_265 = arith.constant 0 : i32
        %dma_wait3A_266 = tpu.memref_slice %arg4[%dma_wait3A_264, %dma_wait3A_265] : memref<32768x1024xf32, #tpu.memory_space<hbm>> -> memref<16x1024xf32, #tpu.memory_space<hbm>>
        %dma_wait3A_267 = arith.constant 0 : i32
        %dma_wait3A_268 = arith.constant 0 : i32
        %dma_wait3A_269 = tpu.memref_slice %arg7[%dma_wait3A_267, %dma_wait3A_268] : memref<48x1024xf32, #tpu.memory_space<vmem>> -> memref<16x1024xf32, #tpu.memory_space<vmem>>
        tpu.wait_dma2 semaphore(%arg12 : memref<!tpu.dma_semaphore, #tpu.memory_space<semaphore_mem>>) src(%dma_wait3A_269 : memref<16x1024xf32, #tpu.memory_space<vmem>>) dst(%dma_wait3A_266 : memref<16x1024xf32, #tpu.memory_space<hbm>>)
      } else {
      }
      %scan3A_93 = arith.constant 0 : i32
      %scan3A_94 = arith.constant 0 : i32
      %scan3A_95 = arith.constant 128 : i32
      %scan3A_96 = arith.addi %scan3A_94, %scan3A_95 : i32
      %scan3A_97 = arith.constant 1 : i32
      scf.for %scan3A_258 = %scan3A_94 to %scan3A_96 step %scan3A_97  : i32 {
        %shift_right_logical3A = arith.constant 3 : i32
        %shift_right_logical3A_259 = arith.shrui %scan3A_258, %shift_right_logical3A : i32
        %and3A = arith.constant 7 : i32
        %and3A_260 = arith.andi %scan3A_258, %and3A : i32
        %shift_left3A = arith.constant 7 : i32
        %shift_left3A_261 = arith.shli %and3A_260, %shift_left3A : i32
        %multiple_of3A = tpu.assume_multiple %shift_left3A_261, 128 : i32
        %add3A_262 = arith.constant 0 : i32
        %add3A_263 = arith.addi %multiple_of3A, %add3A_262 : i32
        %get3A = arith.constant 0 : i32
        %get3A_264 = arith.constant 0 : i32
        %get3A_265 = tpu.memref_slice %arg6[%get3A, %get3A_264] : memref<64x1024xf32, #tpu.memory_space<vmem>> -> memref<16x1024xf32, #tpu.memory_space<vmem>>
        %get3A_266 = arith.index_cast %shift_right_logical3A_259 : i32 to index
        %get3A_267 = arith.index_cast %add3A_263 : i32 to index
        %get3A_268 = tpu.vector_load %get3A_265[%get3A_266, %get3A_267] {strides = array<i32>} : memref<16x1024xf32, #tpu.memory_space<vmem>>, vector<1x16xf32>,
        %get3A_269 = vector.shape_cast %get3A_268 : vector<1x16xf32> to vector<16xf32>
        %mul3A_270 = arith.constant 3.200000e+01 : f32
        %mul3A_271 = vector.broadcast %mul3A_270 : f32 to vector<16xf32>
        %mul3A_272 = arith.mulf %get3A_269, %mul3A_271 : vector<16xf32>
        %swap3A = arith.constant 0 : i32
        %swap3A_273 = arith.constant 0 : i32
        %swap3A_274 = tpu.memref_slice %arg7[%swap3A, %swap3A_273] : memref<48x1024xf32, #tpu.memory_space<vmem>> -> memref<16x1024xf32, #tpu.memory_space<vmem>>
        %swap3A_275 = arith.index_cast %shift_right_logical3A_259 : i32 to index
        %swap3A_276 = arith.index_cast %add3A_263 : i32 to index
        %swap3A_277 = tpu.vector_load %swap3A_274[%swap3A_275, %swap3A_276] {strides = array<i32>} : memref<16x1024xf32, #tpu.memory_space<vmem>>, vector<1x16xf32>,
        %swap3A_278 = vector.shape_cast %swap3A_277 : vector<1x16xf32> to vector<16xf32>
        %swap3A_279 = vector.shape_cast %mul3A_272 : vector<16xf32> to vector<1x16xf32>
        tpu.vector_store %swap3A_274[%swap3A_275, %swap3A_276], %swap3A_279 {strides = array<i32>} : memref<16x1024xf32, #tpu.memory_space<vmem>>, vector<1x16xf32>,
        %add3A_280 = arith.constant 16 : i32
        %add3A_281 = arith.addi %multiple_of3A, %add3A_280 : i32
        %get3A_282 = arith.constant 0 : i32
        %get3A_283 = arith.constant 0 : i32
        %get3A_284 = tpu.memref_slice %arg6[%get3A_282, %get3A_283] : memref<64x1024xf32, #tpu.memory_space<vmem>> -> memref<16x1024xf32, #tpu.memory_space<vmem>>
        %get3A_285 = arith.index_cast %shift_right_logical3A_259 : i32 to index
        %get3A_286 = arith.index_cast %add3A_281 : i32 to index
        %get3A_287 = tpu.vector_load %get3A_284[%get3A_285, %get3A_286] {strides = array<i32>} : memref<16x1024xf32, #tpu.memory_space<vmem>>, vector<1x16xf32>,
        %get3A_288 = vector.shape_cast %get3A_287 : vector<1x16xf32> to vector<16xf32>
        %mul3A_289 = arith.constant 3.200000e+01 : f32
        %mul3A_290 = vector.broadcast %mul3A_289 : f32 to vector<16xf32>
        %mul3A_291 = arith.mulf %get3A_288, %mul3A_290 : vector<16xf32>
        %swap3A_292 = arith.constant 0 : i32
        %swap3A_293 = arith.constant 0 : i32
        %swap3A_294 = tpu.memref_slice %arg7[%swap3A_292, %swap3A_293] : memref<48x1024xf32, #tpu.memory_space<vmem>> -> memref<16x1024xf32, #tpu.memory_space<vmem>>
        %swap3A_295 = arith.index_cast %shift_right_logical3A_259 : i32 to index
        %swap3A_296 = arith.index_cast %add3A_281 : i32 to index
        %swap3A_297 = tpu.vector_load %swap3A_294[%swap3A_295, %swap3A_296] {strides = array<i32>} : memref<16x1024xf32, #tpu.memory_space<vmem>>, vector<1x16xf32>,
        %swap3A_298 = vector.shape_cast %swap3A_297 : vector<1x16xf32> to vector<16xf32>
        %swap3A_299 = vector.shape_cast %mul3A_291 : vector<16xf32> to vector<1x16xf32>
        tpu.vector_store %swap3A_294[%swap3A_295, %swap3A_296], %swap3A_299 {strides = array<i32>} : memref<16x1024xf32, #tpu.memory_space<vmem>>, vector<1x16xf32>,
        %add3A_300 = arith.constant 32 : i32
        %add3A_301 = arith.addi %multiple_of3A, %add3A_300 : i32
        %get3A_302 = arith.constant 0 : i32
        %get3A_303 = arith.constant 0 : i32
        %get3A_304 = tpu.memref_slice %arg6[%get3A_302, %get3A_303] : memref<64x1024xf32, #tpu.memory_space<vmem>> -> memref<16x1024xf32, #tpu.memory_space<vmem>>
        %get3A_305 = arith.index_cast %shift_right_logical3A_259 : i32 to index
        %get3A_306 = arith.index_cast %add3A_301 : i32 to index
        %get3A_307 = tpu.vector_load %get3A_304[%get3A_305, %get3A_306] {strides = array<i32>} : memref<16x1024xf32, #tpu.memory_space<vmem>>, vector<1x16xf32>,
        %get3A_308 = vector.shape_cast %get3A_307 : vector<1x16xf32> to vector<16xf32>
        %mul3A_309 = arith.constant 3.200000e+01 : f32
        %mul3A_310 = vector.broadcast %mul3A_309 : f32 to vector<16xf32>
        %mul3A_311 = arith.mulf %get3A_308, %mul3A_310 : vector<16xf32>
        %swap3A_312 = arith.constant 0 : i32
        %swap3A_313 = arith.constant 0 : i32
        %swap3A_314 = tpu.memref_slice %arg7[%swap3A_312, %swap3A_313] : memref<48x1024xf32, #tpu.memory_space<vmem>> -> memref<16x1024xf32, #tpu.memory_space<vmem>>
        %swap3A_315 = arith.index_cast %shift_right_logical3A_259 : i32 to index
        %swap3A_316 = arith.index_cast %add3A_301 : i32 to index
        %swap3A_317 = tpu.vector_load %swap3A_314[%swap3A_315, %swap3A_316] {strides = array<i32>} : memref<16x1024xf32, #tpu.memory_space<vmem>>, vector<1x16xf32>,
        %swap3A_318 = vector.shape_cast %swap3A_317 : vector<1x16xf32> to vector<16xf32>
        %swap3A_319 = vector.shape_cast %mul3A_311 : vector<16xf32> to vector<1x16xf32>
        tpu.vector_store %swap3A_314[%swap3A_315, %swap3A_316], %swap3A_319 {strides = array<i32>} : memref<16x1024xf32, #tpu.memory_space<vmem>>, vector<1x16xf32>,
        %add3A_320 = arith.constant 48 : i32
        %add3A_321 = arith.addi %multiple_of3A, %add3A_320 : i32
        %get3A_322 = arith.constant 0 : i32
        %get3A_323 = arith.constant 0 : i32
        %get3A_324 = tpu.memref_slice %arg6[%get3A_322, %get3A_323] : memref<64x1024xf32, #tpu.memory_space<vmem>> -> memref<16x1024xf32, #tpu.memory_space<vmem>>
        %get3A_325 = arith.index_cast %shift_right_logical3A_259 : i32 to index
        %get3A_326 = arith.index_cast %add3A_321 : i32 to index
        %get3A_327 = tpu.vector_load %get3A_324[%get3A_325, %get3A_326] {strides = array<i32>} : memref<16x1024xf32, #tpu.memory_space<vmem>>, vector<1x16xf32>,
        %get3A_328 = vector.shape_cast %get3A_327 : vector<1x16xf32> to vector<16xf32>
        %mul3A_329 = arith.constant 3.200000e+01 : f32
        %mul3A_330 = vector.broadcast %mul3A_329 : f32 to vector<16xf32>
        %mul3A_331 = arith.mulf %get3A_328, %mul3A_330 : vector<16xf32>
        %swap3A_332 = arith.constant 0 : i32
        %swap3A_333 = arith.constant 0 : i32
        %swap3A_334 = tpu.memref_slice %arg7[%swap3A_332, %swap3A_333] : memref<48x1024xf32, #tpu.memory_space<vmem>> -> memref<16x1024xf32, #tpu.memory_space<vmem>>
        %swap3A_335 = arith.index_cast %shift_right_logical3A_259 : i32 to index
        %swap3A_336 = arith.index_cast %add3A_321 : i32 to index
        %swap3A_337 = tpu.vector_load %swap3A_334[%swap3A_335, %swap3A_336] {strides = array<i32>} : memref<16x1024xf32, #tpu.memory_space<vmem>>, vector<1x16xf32>,
        %swap3A_338 = vector.shape_cast %swap3A_337 : vector<1x16xf32> to vector<16xf32>
        %swap3A_339 = vector.shape_cast %mul3A_331 : vector<16xf32> to vector<1x16xf32>
        tpu.vector_store %swap3A_334[%swap3A_335, %swap3A_336], %swap3A_339 {strides = array<i32>} : memref<16x1024xf32, #tpu.memory_space<vmem>>, vector<1x16xf32>,
        %add3A_340 = arith.constant 64 : i32
        %add3A_341 = arith.addi %multiple_of3A, %add3A_340 : i32
        %get3A_342 = arith.constant 0 : i32
        %get3A_343 = arith.constant 0 : i32
        %get3A_344 = tpu.memref_slice %arg6[%get3A_342, %get3A_343] : memref<64x1024xf32, #tpu.memory_space<vmem>> -> memref<16x1024xf32, #tpu.memory_space<vmem>>
        %get3A_345 = arith.index_cast %shift_right_logical3A_259 : i32 to index
        %get3A_346 = arith.index_cast %add3A_341 : i32 to index
        %get3A_347 = tpu.vector_load %get3A_344[%get3A_345, %get3A_346] {strides = array<i32>} : memref<16x1024xf32, #tpu.memory_space<vmem>>, vector<1x16xf32>,
        %get3A_348 = vector.shape_cast %get3A_347 : vector<1x16xf32> to vector<16xf32>
        %mul3A_349 = arith.constant 3.200000e+01 : f32
        %mul3A_350 = vector.broadcast %mul3A_349 : f32 to vector<16xf32>
        %mul3A_351 = arith.mulf %get3A_348, %mul3A_350 : vector<16xf32>
        %swap3A_352 = arith.constant 0 : i32
        %swap3A_353 = arith.constant 0 : i32
        %swap3A_354 = tpu.memref_slice %arg7[%swap3A_352, %swap3A_353] : memref<48x1024xf32, #tpu.memory_space<vmem>> -> memref<16x1024xf32, #tpu.memory_space<vmem>>
        %swap3A_355 = arith.index_cast %shift_right_logical3A_259 : i32 to index
        %swap3A_356 = arith.index_cast %add3A_341 : i32 to index
        %swap3A_357 = tpu.vector_load %swap3A_354[%swap3A_355, %swap3A_356] {strides = array<i32>} : memref<16x1024xf32, #tpu.memory_space<vmem>>, vector<1x16xf32>,
        %swap3A_358 = vector.shape_cast %swap3A_357 : vector<1x16xf32> to vector<16xf32>
        %swap3A_359 = vector.shape_cast %mul3A_351 : vector<16xf32> to vector<1x16xf32>
        tpu.vector_store %swap3A_354[%swap3A_355, %swap3A_356], %swap3A_359 {strides = array<i32>} : memref<16x1024xf32, #tpu.memory_space<vmem>>, vector<1x16xf32>,
        %add3A_360 = arith.constant 80 : i32
        %add3A_361 = arith.addi %multiple_of3A, %add3A_360 : i32
        %get3A_362 = arith.constant 0 : i32
        %get3A_363 = arith.constant 0 : i32
        %get3A_364 = tpu.memref_slice %arg6[%get3A_362, %get3A_363] : memref<64x1024xf32, #tpu.memory_space<vmem>> -> memref<16x1024xf32, #tpu.memory_space<vmem>>
        %get3A_365 = arith.index_cast %shift_right_logical3A_259 : i32 to index
        %get3A_366 = arith.index_cast %add3A_361 : i32 to index
        %get3A_367 = tpu.vector_load %get3A_364[%get3A_365, %get3A_366] {strides = array<i32>} : memref<16x1024xf32, #tpu.memory_space<vmem>>, vector<1x16xf32>,
        %get3A_368 = vector.shape_cast %get3A_367 : vector<1x16xf32> to vector<16xf32>
        %mul3A_369 = arith.constant 3.200000e+01 : f32
        %mul3A_370 = vector.broadcast %mul3A_369 : f32 to vector<16xf32>
        %mul3A_371 = arith.mulf %get3A_368, %mul3A_370 : vector<16xf32>
        %swap3A_372 = arith.constant 0 : i32
        %swap3A_373 = arith.constant 0 : i32
        %swap3A_374 = tpu.memref_slice %arg7[%swap3A_372, %swap3A_373] : memref<48x1024xf32, #tpu.memory_space<vmem>> -> memref<16x1024xf32, #tpu.memory_space<vmem>>
        %swap3A_375 = arith.index_cast %shift_right_logical3A_259 : i32 to index
        %swap3A_376 = arith.index_cast %add3A_361 : i32 to index
        %swap3A_377 = tpu.vector_load %swap3A_374[%swap3A_375, %swap3A_376] {strides = array<i32>} : memref<16x1024xf32, #tpu.memory_space<vmem>>, vector<1x16xf32>,
        %swap3A_378 = vector.shape_cast %swap3A_377 : vector<1x16xf32> to vector<16xf32>
        %swap3A_379 = vector.shape_cast %mul3A_371 : vector<16xf32> to vector<1x16xf32>
        tpu.vector_store %swap3A_374[%swap3A_375, %swap3A_376], %swap3A_379 {strides = array<i32>} : memref<16x1024xf32, #tpu.memory_space<vmem>>, vector<1x16xf32>,
        %add3A_380 = arith.constant 96 : i32
        %add3A_381 = arith.addi %multiple_of3A, %add3A_380 : i32
        %get3A_382 = arith.constant 0 : i32
        %get3A_383 = arith.constant 0 : i32
        %get3A_384 = tpu.memref_slice %arg6[%get3A_382, %get3A_383] : memref<64x1024xf32, #tpu.memory_space<vmem>> -> memref<16x1024xf32, #tpu.memory_space<vmem>>
        %get3A_385 = arith.index_cast %shift_right_logical3A_259 : i32 to index
        %get3A_386 = arith.index_cast %add3A_381 : i32 to index
        %get3A_387 = tpu.vector_load %get3A_384[%get3A_385, %get3A_386] {strides = array<i32>} : memref<16x1024xf32, #tpu.memory_space<vmem>>, vector<1x16xf32>,
        %get3A_388 = vector.shape_cast %get3A_387 : vector<1x16xf32> to vector<16xf32>
        %mul3A_389 = arith.constant 3.200000e+01 : f32
        %mul3A_390 = vector.broadcast %mul3A_389 : f32 to vector<16xf32>
        %mul3A_391 = arith.mulf %get3A_388, %mul3A_390 : vector<16xf32>
        %swap3A_392 = arith.constant 0 : i32
        %swap3A_393 = arith.constant 0 : i32
        %swap3A_394 = tpu.memref_slice %arg7[%swap3A_392, %swap3A_393] : memref<48x1024xf32, #tpu.memory_space<vmem>> -> memref<16x1024xf32, #tpu.memory_space<vmem>>
        %swap3A_395 = arith.index_cast %shift_right_logical3A_259 : i32 to index
        %swap3A_396 = arith.index_cast %add3A_381 : i32 to index
        %swap3A_397 = tpu.vector_load %swap3A_394[%swap3A_395, %swap3A_396] {strides = array<i32>} : memref<16x1024xf32, #tpu.memory_space<vmem>>, vector<1x16xf32>,
        %swap3A_398 = vector.shape_cast %swap3A_397 : vector<1x16xf32> to vector<16xf32>
        %swap3A_399 = vector.shape_cast %mul3A_391 : vector<16xf32> to vector<1x16xf32>
        tpu.vector_store %swap3A_394[%swap3A_395, %swap3A_396], %swap3A_399 {strides = array<i32>} : memref<16x1024xf32, #tpu.memory_space<vmem>>, vector<1x16xf32>,
        %add3A_400 = arith.constant 112 : i32
        %add3A_401 = arith.addi %multiple_of3A, %add3A_400 : i32
        %get3A_402 = arith.constant 0 : i32
        %get3A_403 = arith.constant 0 : i32
        %get3A_404 = tpu.memref_slice %arg6[%get3A_402, %get3A_403] : memref<64x1024xf32, #tpu.memory_space<vmem>> -> memref<16x1024xf32, #tpu.memory_space<vmem>>
        %get3A_405 = arith.index_cast %shift_right_logical3A_259 : i32 to index
        %get3A_406 = arith.index_cast %add3A_401 : i32 to index
        %get3A_407 = tpu.vector_load %get3A_404[%get3A_405, %get3A_406] {strides = array<i32>} : memref<16x1024xf32, #tpu.memory_space<vmem>>, vector<1x16xf32>,
        %get3A_408 = vector.shape_cast %get3A_407 : vector<1x16xf32> to vector<16xf32>
        %mul3A_409 = arith.constant 3.200000e+01 : f32
        %mul3A_410 = vector.broadcast %mul3A_409 : f32 to vector<16xf32>
        %mul3A_411 = arith.mulf %get3A_408, %mul3A_410 : vector<16xf32>
        %swap3A_412 = arith.constant 0 : i32
        %swap3A_413 = arith.constant 0 : i32
        %swap3A_414 = tpu.memref_slice %arg7[%swap3A_412, %swap3A_413] : memref<48x1024xf32, #tpu.memory_space<vmem>> -> memref<16x1024xf32, #tpu.memory_space<vmem>>
        %swap3A_415 = arith.index_cast %shift_right_logical3A_259 : i32 to index
        %swap3A_416 = arith.index_cast %add3A_401 : i32 to index
        %swap3A_417 = tpu.vector_load %swap3A_414[%swap3A_415, %swap3A_416] {strides = array<i32>} : memref<16x1024xf32, #tpu.memory_space<vmem>>, vector<1x16xf32>,
        %swap3A_418 = vector.shape_cast %swap3A_417 : vector<1x16xf32> to vector<16xf32>
        %swap3A_419 = vector.shape_cast %mul3A_411 : vector<16xf32> to vector<1x16xf32>
        tpu.vector_store %swap3A_414[%swap3A_415, %swap3A_416], %swap3A_419 {strides = array<i32>} : memref<16x1024xf32, #tpu.memory_space<vmem>>, vector<1x16xf32>,
      }
      %scan3A_98 = arith.constant 128 : i32
      %lt3A = arith.constant 15 : i32
      %lt3A_99 = arith.cmpi slt, %scan3A_74, %lt3A : i32
      %convert_element_type3A_100 = arith.extui %lt3A_99 : i1 to i32
      %cond3A_101 = arith.constant 0 : i32
      %cond3A_102 = arith.cmpi ne, %convert_element_type3A_100, %cond3A_101 : i32
      scf.if %cond3A_102 {
        %add3A_258 = arith.constant 4 : i32
        %add3A_259 = arith.addi %add3A_78, %add3A_258 : i32
        %mul3A_260 = arith.constant 16 : i32
        %mul3A_261 = arith.muli %add3A_259, %mul3A_260 : i32
        %dma_start3A_262 = arith.constant 0 : i32
        %dma_start3A_263 = arith.constant 0 : i32
        %dma_start3A_264 = tpu.memref_slice %arg6[%dma_start3A_262, %dma_start3A_263] : memref<64x1024xf32, #tpu.memory_space<vmem>> -> memref<16x1024xf32, #tpu.memory_space<vmem>>
        %dma_start3A_265 = tpu.memref_slice %arg5[%mul3A_261] : memref<1024xi32, #tpu.memory_space<vmem>> -> memref<16xi32, #tpu.memory_space<vmem>>
        %dma_start3A_266 = arith.constant 0 : i32
        %dma_start3A_267 = arith.constant 0 : i32
        %dma_start3A_268 = tpu.memref_slice %arg2[%dma_start3A_266, %dma_start3A_267] : memref<100000x1024xf32, #tpu.memory_space<hbm>> -> memref<100000x1024xf32, #tpu.memory_space<hbm>>
        tpu.enqueue_indirect_dma source(%dma_start3A_268 : memref<100000x1024xf32, #tpu.memory_space<hbm>>) target(%dma_start3A_264 : memref<16x1024xf32, #tpu.memory_space<vmem>>) offsets(%dma_start3A_265 : memref<16xi32, #tpu.memory_space<vmem>>) semaphore(%arg8 : memref<!tpu.dma_semaphore, #tpu.memory_space<semaphore_mem>>)
      } else {
      }
      %mul3A_103 = arith.constant 16 : i32
      %mul3A_104 = arith.muli %add3A_78, %mul3A_103 : i32
      %add3A_105 = arith.addi %mul3A_2, %mul3A_104 : i32
      %dma_start3A_106 = arith.constant 0 : i32
      %dma_start3A_107 = arith.constant 0 : i32
      %dma_start3A_108 = tpu.memref_slice %arg7[%dma_start3A_106, %dma_start3A_107] : memref<48x1024xf32, #tpu.memory_space<vmem>> -> memref<16x1024xf32, #tpu.memory_space<vmem>>
      %dma_start3A_109 = arith.constant 0 : i32
      %dma_start3A_110 = tpu.memref_slice %arg4[%add3A_105, %dma_start3A_109] : memref<32768x1024xf32, #tpu.memory_space<hbm>> -> memref<16x1024xf32, #tpu.memory_space<hbm>>
      %dma_start3A_111 = arith.constant 0 : i32
      %dma_start3A_112 = tpu.memref_slice %arg4[%add3A_105, %dma_start3A_111] : memref<32768x1024xf32, #tpu.memory_space<hbm>> -> memref<16x1024xf32, #tpu.memory_space<hbm>>
      %dma_start3A_113 = arith.constant 0 : i32
      %dma_start3A_114 = arith.constant 0 : i32
      %dma_start3A_115 = tpu.memref_slice %arg7[%dma_start3A_113, %dma_start3A_114] : memref<48x1024xf32, #tpu.memory_space<vmem>> -> memref<16x1024xf32, #tpu.memory_space<vmem>>
      tpu.enqueue_dma source(%dma_start3A_115 : memref<16x1024xf32, #tpu.memory_space<vmem>>) target(%dma_start3A_112 : memref<16x1024xf32, #tpu.memory_space<hbm>>) target_semaphore(%arg12 : memref<!tpu.dma_semaphore, #tpu.memory_space<semaphore_mem>>)
      %mul3A_116 = arith.constant 4 : i32
      %mul3A_117 = arith.muli %scan3A_74, %mul3A_116 : i32
      %add3A_118 = arith.constant 1 : i32
      %add3A_119 = arith.addi %mul3A_117, %add3A_118 : i32
      %dma_wait3A_120 = arith.constant 16 : i32
      %dma_wait3A_121 = arith.constant 0 : i32
      %dma_wait3A_122 = tpu.memref_slice %arg6[%dma_wait3A_120, %dma_wait3A_121] : memref<64x1024xf32, #tpu.memory_space<vmem>> -> memref<16x1024xf32, #tpu.memory_space<vmem>>
      %dma_wait3A_123 = arith.constant 0 : i32
      %dma_wait3A_124 = arith.constant 0 : i32
      %dma_wait3A_125 = tpu.memref_slice %arg2[%dma_wait3A_123, %dma_wait3A_124] : memref<100000x1024xf32, #tpu.memory_space<hbm>> -> memref<16x1024xf32, #tpu.memory_space<hbm>>
      %dma_wait3A_126 = arith.constant 16 : i32
      %dma_wait3A_127 = arith.constant 0 : i32
      %dma_wait3A_128 = tpu.memref_slice %arg6[%dma_wait3A_126, %dma_wait3A_127] : memref<64x1024xf32, #tpu.memory_space<vmem>> -> memref<16x1024xf32, #tpu.memory_space<vmem>>
      %dma_wait3A_129 = arith.constant 0 : i32
      %dma_wait3A_130 = arith.constant 0 : i32
      %dma_wait3A_131 = tpu.memref_slice %arg2[%dma_wait3A_129, %dma_wait3A_130] : memref<100000x1024xf32, #tpu.memory_space<hbm>> -> memref<16x1024xf32, #tpu.memory_space<hbm>>
      tpu.wait_dma2 semaphore(%arg9 : memref<!tpu.dma_semaphore, #tpu.memory_space<semaphore_mem>>) src(%dma_wait3A_131 : memref<16x1024xf32, #tpu.memory_space<hbm>>) dst(%dma_wait3A_128 : memref<16x1024xf32, #tpu.memory_space<vmem>>)
      %gt3A_132 = arith.constant 0 : i32
      %gt3A_133 = arith.cmpi sgt, %scan3A_74, %gt3A_132 : i32
      %convert_element_type3A_134 = arith.extui %gt3A_133 : i1 to i32
      %cond3A_135 = arith.constant 0 : i32
      %cond3A_136 = arith.cmpi ne, %convert_element_type3A_134, %cond3A_135 : i32
      scf.if %cond3A_136 {
        %dma_wait3A_258 = arith.constant 16 : i32
        %dma_wait3A_259 = arith.constant 0 : i32
        %dma_wait3A_260 = tpu.memref_slice %arg7[%dma_wait3A_258, %dma_wait3A_259] : memref<48x1024xf32, #tpu.memory_space<vmem>> -> memref<16x1024xf32, #tpu.memory_space<vmem>>
        %dma_wait3A_261 = arith.constant 0 : i32
        %dma_wait3A_262 = arith.constant 0 : i32
        %dma_wait3A_263 = tpu.memref_slice %arg4[%dma_wait3A_261, %dma_wait3A_262] : memref<32768x1024xf32, #tpu.memory_space<hbm>> -> memref<16x1024xf32, #tpu.memory_space<hbm>>
        %dma_wait3A_264 = arith.constant 0 : i32
        %dma_wait3A_265 = arith.constant 0 : i32
        %dma_wait3A_266 = tpu.memref_slice %arg4[%dma_wait3A_264, %dma_wait3A_265] : memref<32768x1024xf32, #tpu.memory_space<hbm>> -> memref<16x1024xf32, #tpu.memory_space<hbm>>
        %dma_wait3A_267 = arith.constant 16 : i32
        %dma_wait3A_268 = arith.constant 0 : i32
        %dma_wait3A_269 = tpu.memref_slice %arg7[%dma_wait3A_267, %dma_wait3A_268] : memref<48x1024xf32, #tpu.memory_space<vmem>> -> memref<16x1024xf32, #tpu.memory_space<vmem>>
        tpu.wait_dma2 semaphore(%arg13 : memref<!tpu.dma_semaphore, #tpu.memory_space<semaphore_mem>>) src(%dma_wait3A_269 : memref<16x1024xf32, #tpu.memory_space<vmem>>) dst(%dma_wait3A_266 : memref<16x1024xf32, #tpu.memory_space<hbm>>)
      } else {
      }
      %scan3A_137 = arith.constant 0 : i32
      %scan3A_138 = arith.constant 0 : i32
      %scan3A_139 = arith.constant 128 : i32
      %scan3A_140 = arith.addi %scan3A_138, %scan3A_139 : i32
      %scan3A_141 = arith.constant 1 : i32
      scf.for %scan3A_258 = %scan3A_138 to %scan3A_140 step %scan3A_141  : i32 {
        %shift_right_logical3A = arith.constant 3 : i32
        %shift_right_logical3A_259 = arith.shrui %scan3A_258, %shift_right_logical3A : i32
        %and3A = arith.constant 7 : i32
        %and3A_260 = arith.andi %scan3A_258, %and3A : i32
        %shift_left3A = arith.constant 7 : i32
        %shift_left3A_261 = arith.shli %and3A_260, %shift_left3A : i32
        %multiple_of3A = tpu.assume_multiple %shift_left3A_261, 128 : i32
        %add3A_262 = arith.constant 0 : i32
        %add3A_263 = arith.addi %multiple_of3A, %add3A_262 : i32
        %get3A = arith.constant 16 : i32
        %get3A_264 = arith.constant 0 : i32
        %get3A_265 = tpu.memref_slice %arg6[%get3A, %get3A_264] : memref<64x1024xf32, #tpu.memory_space<vmem>> -> memref<16x1024xf32, #tpu.memory_space<vmem>>
        %get3A_266 = arith.index_cast %shift_right_logical3A_259 : i32 to index
        %get3A_267 = arith.index_cast %add3A_263 : i32 to index
        %get3A_268 = tpu.vector_load %get3A_265[%get3A_266, %get3A_267] {strides = array<i32>} : memref<16x1024xf32, #tpu.memory_space<vmem>>, vector<1x16xf32>,
        %get3A_269 = vector.shape_cast %get3A_268 : vector<1x16xf32> to vector<16xf32>
        %mul3A_270 = arith.constant 3.200000e+01 : f32
        %mul3A_271 = vector.broadcast %mul3A_270 : f32 to vector<16xf32>
        %mul3A_272 = arith.mulf %get3A_269, %mul3A_271 : vector<16xf32>
        %swap3A = arith.constant 16 : i32
        %swap3A_273 = arith.constant 0 : i32
        %swap3A_274 = tpu.memref_slice %arg7[%swap3A, %swap3A_273] : memref<48x1024xf32, #tpu.memory_space<vmem>> -> memref<16x1024xf32, #tpu.memory_space<vmem>>
        %swap3A_275 = arith.index_cast %shift_right_logical3A_259 : i32 to index
        %swap3A_276 = arith.index_cast %add3A_263 : i32 to index
        %swap3A_277 = tpu.vector_load %swap3A_274[%swap3A_275, %swap3A_276] {strides = array<i32>} : memref<16x1024xf32, #tpu.memory_space<vmem>>, vector<1x16xf32>,
        %swap3A_278 = vector.shape_cast %swap3A_277 : vector<1x16xf32> to vector<16xf32>
        %swap3A_279 = vector.shape_cast %mul3A_272 : vector<16xf32> to vector<1x16xf32>
        tpu.vector_store %swap3A_274[%swap3A_275, %swap3A_276], %swap3A_279 {strides = array<i32>} : memref<16x1024xf32, #tpu.memory_space<vmem>>, vector<1x16xf32>,
        %add3A_280 = arith.constant 16 : i32
        %add3A_281 = arith.addi %multiple_of3A, %add3A_280 : i32
        %get3A_282 = arith.constant 16 : i32
        %get3A_283 = arith.constant 0 : i32
        %get3A_284 = tpu.memref_slice %arg6[%get3A_282, %get3A_283] : memref<64x1024xf32, #tpu.memory_space<vmem>> -> memref<16x1024xf32, #tpu.memory_space<vmem>>
        %get3A_285 = arith.index_cast %shift_right_logical3A_259 : i32 to index
        %get3A_286 = arith.index_cast %add3A_281 : i32 to index
        %get3A_287 = tpu.vector_load %get3A_284[%get3A_285, %get3A_286] {strides = array<i32>} : memref<16x1024xf32, #tpu.memory_space<vmem>>, vector<1x16xf32>,
        %get3A_288 = vector.shape_cast %get3A_287 : vector<1x16xf32> to vector<16xf32>
        %mul3A_289 = arith.constant 3.200000e+01 : f32
        %mul3A_290 = vector.broadcast %mul3A_289 : f32 to vector<16xf32>
        %mul3A_291 = arith.mulf %get3A_288, %mul3A_290 : vector<16xf32>
        %swap3A_292 = arith.constant 16 : i32
        %swap3A_293 = arith.constant 0 : i32
        %swap3A_294 = tpu.memref_slice %arg7[%swap3A_292, %swap3A_293] : memref<48x1024xf32, #tpu.memory_space<vmem>> -> memref<16x1024xf32, #tpu.memory_space<vmem>>
        %swap3A_295 = arith.index_cast %shift_right_logical3A_259 : i32 to index
        %swap3A_296 = arith.index_cast %add3A_281 : i32 to index
        %swap3A_297 = tpu.vector_load %swap3A_294[%swap3A_295, %swap3A_296] {strides = array<i32>} : memref<16x1024xf32, #tpu.memory_space<vmem>>, vector<1x16xf32>,
        %swap3A_298 = vector.shape_cast %swap3A_297 : vector<1x16xf32> to vector<16xf32>
        %swap3A_299 = vector.shape_cast %mul3A_291 : vector<16xf32> to vector<1x16xf32>
        tpu.vector_store %swap3A_294[%swap3A_295, %swap3A_296], %swap3A_299 {strides = array<i32>} : memref<16x1024xf32, #tpu.memory_space<vmem>>, vector<1x16xf32>,
        %add3A_300 = arith.constant 32 : i32
        %add3A_301 = arith.addi %multiple_of3A, %add3A_300 : i32
        %get3A_302 = arith.constant 16 : i32
        %get3A_303 = arith.constant 0 : i32
        %get3A_304 = tpu.memref_slice %arg6[%get3A_302, %get3A_303] : memref<64x1024xf32, #tpu.memory_space<vmem>> -> memref<16x1024xf32, #tpu.memory_space<vmem>>
        %get3A_305 = arith.index_cast %shift_right_logical3A_259 : i32 to index
        %get3A_306 = arith.index_cast %add3A_301 : i32 to index
        %get3A_307 = tpu.vector_load %get3A_304[%get3A_305, %get3A_306] {strides = array<i32>} : memref<16x1024xf32, #tpu.memory_space<vmem>>, vector<1x16xf32>,
        %get3A_308 = vector.shape_cast %get3A_307 : vector<1x16xf32> to vector<16xf32>
        %mul3A_309 = arith.constant 3.200000e+01 : f32
        %mul3A_310 = vector.broadcast %mul3A_309 : f32 to vector<16xf32>
        %mul3A_311 = arith.mulf %get3A_308, %mul3A_310 : vector<16xf32>
        %swap3A_312 = arith.constant 16 : i32
        %swap3A_313 = arith.constant 0 : i32
        %swap3A_314 = tpu.memref_slice %arg7[%swap3A_312, %swap3A_313] : memref<48x1024xf32, #tpu.memory_space<vmem>> -> memref<16x1024xf32, #tpu.memory_space<vmem>>
        %swap3A_315 = arith.index_cast %shift_right_logical3A_259 : i32 to index
        %swap3A_316 = arith.index_cast %add3A_301 : i32 to index
        %swap3A_317 = tpu.vector_load %swap3A_314[%swap3A_315, %swap3A_316] {strides = array<i32>} : memref<16x1024xf32, #tpu.memory_space<vmem>>, vector<1x16xf32>,
        %swap3A_318 = vector.shape_cast %swap3A_317 : vector<1x16xf32> to vector<16xf32>
        %swap3A_319 = vector.shape_cast %mul3A_311 : vector<16xf32> to vector<1x16xf32>
        tpu.vector_store %swap3A_314[%swap3A_315, %swap3A_316], %swap3A_319 {strides = array<i32>} : memref<16x1024xf32, #tpu.memory_space<vmem>>, vector<1x16xf32>,
        %add3A_320 = arith.constant 48 : i32
        %add3A_321 = arith.addi %multiple_of3A, %add3A_320 : i32
        %get3A_322 = arith.constant 16 : i32
        %get3A_323 = arith.constant 0 : i32
        %get3A_324 = tpu.memref_slice %arg6[%get3A_322, %get3A_323] : memref<64x1024xf32, #tpu.memory_space<vmem>> -> memref<16x1024xf32, #tpu.memory_space<vmem>>
        %get3A_325 = arith.index_cast %shift_right_logical3A_259 : i32 to index
        %get3A_326 = arith.index_cast %add3A_321 : i32 to index
        %get3A_327 = tpu.vector_load %get3A_324[%get3A_325, %get3A_326] {strides = array<i32>} : memref<16x1024xf32, #tpu.memory_space<vmem>>, vector<1x16xf32>,
        %get3A_328 = vector.shape_cast %get3A_327 : vector<1x16xf32> to vector<16xf32>
        %mul3A_329 = arith.constant 3.200000e+01 : f32
        %mul3A_330 = vector.broadcast %mul3A_329 : f32 to vector<16xf32>
        %mul3A_331 = arith.mulf %get3A_328, %mul3A_330 : vector<16xf32>
        %swap3A_332 = arith.constant 16 : i32
        %swap3A_333 = arith.constant 0 : i32
        %swap3A_334 = tpu.memref_slice %arg7[%swap3A_332, %swap3A_333] : memref<48x1024xf32, #tpu.memory_space<vmem>> -> memref<16x1024xf32, #tpu.memory_space<vmem>>
        %swap3A_335 = arith.index_cast %shift_right_logical3A_259 : i32 to index
        %swap3A_336 = arith.index_cast %add3A_321 : i32 to index
        %swap3A_337 = tpu.vector_load %swap3A_334[%swap3A_335, %swap3A_336] {strides = array<i32>} : memref<16x1024xf32, #tpu.memory_space<vmem>>, vector<1x16xf32>,
        %swap3A_338 = vector.shape_cast %swap3A_337 : vector<1x16xf32> to vector<16xf32>
        %swap3A_339 = vector.shape_cast %mul3A_331 : vector<16xf32> to vector<1x16xf32>
        tpu.vector_store %swap3A_334[%swap3A_335, %swap3A_336], %swap3A_339 {strides = array<i32>} : memref<16x1024xf32, #tpu.memory_space<vmem>>, vector<1x16xf32>,
        %add3A_340 = arith.constant 64 : i32
        %add3A_341 = arith.addi %multiple_of3A, %add3A_340 : i32
        %get3A_342 = arith.constant 16 : i32
        %get3A_343 = arith.constant 0 : i32
        %get3A_344 = tpu.memref_slice %arg6[%get3A_342, %get3A_343] : memref<64x1024xf32, #tpu.memory_space<vmem>> -> memref<16x1024xf32, #tpu.memory_space<vmem>>
        %get3A_345 = arith.index_cast %shift_right_logical3A_259 : i32 to index
        %get3A_346 = arith.index_cast %add3A_341 : i32 to index
        %get3A_347 = tpu.vector_load %get3A_344[%get3A_345, %get3A_346] {strides = array<i32>} : memref<16x1024xf32, #tpu.memory_space<vmem>>, vector<1x16xf32>,
        %get3A_348 = vector.shape_cast %get3A_347 : vector<1x16xf32> to vector<16xf32>
        %mul3A_349 = arith.constant 3.200000e+01 : f32
        %mul3A_350 = vector.broadcast %mul3A_349 : f32 to vector<16xf32>
        %mul3A_351 = arith.mulf %get3A_348, %mul3A_350 : vector<16xf32>
        %swap3A_352 = arith.constant 16 : i32
        %swap3A_353 = arith.constant 0 : i32
        %swap3A_354 = tpu.memref_slice %arg7[%swap3A_352, %swap3A_353] : memref<48x1024xf32, #tpu.memory_space<vmem>> -> memref<16x1024xf32, #tpu.memory_space<vmem>>
        %swap3A_355 = arith.index_cast %shift_right_logical3A_259 : i32 to index
        %swap3A_356 = arith.index_cast %add3A_341 : i32 to index
        %swap3A_357 = tpu.vector_load %swap3A_354[%swap3A_355, %swap3A_356] {strides = array<i32>} : memref<16x1024xf32, #tpu.memory_space<vmem>>, vector<1x16xf32>,
        %swap3A_358 = vector.shape_cast %swap3A_357 : vector<1x16xf32> to vector<16xf32>
        %swap3A_359 = vector.shape_cast %mul3A_351 : vector<16xf32> to vector<1x16xf32>
        tpu.vector_store %swap3A_354[%swap3A_355, %swap3A_356], %swap3A_359 {strides = array<i32>} : memref<16x1024xf32, #tpu.memory_space<vmem>>, vector<1x16xf32>,
        %add3A_360 = arith.constant 80 : i32
        %add3A_361 = arith.addi %multiple_of3A, %add3A_360 : i32
        %get3A_362 = arith.constant 16 : i32
        %get3A_363 = arith.constant 0 : i32
        %get3A_364 = tpu.memref_slice %arg6[%get3A_362, %get3A_363] : memref<64x1024xf32, #tpu.memory_space<vmem>> -> memref<16x1024xf32, #tpu.memory_space<vmem>>
        %get3A_365 = arith.index_cast %shift_right_logical3A_259 : i32 to index
        %get3A_366 = arith.index_cast %add3A_361 : i32 to index
        %get3A_367 = tpu.vector_load %get3A_364[%get3A_365, %get3A_366] {strides = array<i32>} : memref<16x1024xf32, #tpu.memory_space<vmem>>, vector<1x16xf32>,
        %get3A_368 = vector.shape_cast %get3A_367 : vector<1x16xf32> to vector<16xf32>
        %mul3A_369 = arith.constant 3.200000e+01 : f32
        %mul3A_370 = vector.broadcast %mul3A_369 : f32 to vector<16xf32>
        %mul3A_371 = arith.mulf %get3A_368, %mul3A_370 : vector<16xf32>
        %swap3A_372 = arith.constant 16 : i32
        %swap3A_373 = arith.constant 0 : i32
        %swap3A_374 = tpu.memref_slice %arg7[%swap3A_372, %swap3A_373] : memref<48x1024xf32, #tpu.memory_space<vmem>> -> memref<16x1024xf32, #tpu.memory_space<vmem>>
        %swap3A_375 = arith.index_cast %shift_right_logical3A_259 : i32 to index
        %swap3A_376 = arith.index_cast %add3A_361 : i32 to index
        %swap3A_377 = tpu.vector_load %swap3A_374[%swap3A_375, %swap3A_376] {strides = array<i32>} : memref<16x1024xf32, #tpu.memory_space<vmem>>, vector<1x16xf32>,
        %swap3A_378 = vector.shape_cast %swap3A_377 : vector<1x16xf32> to vector<16xf32>
        %swap3A_379 = vector.shape_cast %mul3A_371 : vector<16xf32> to vector<1x16xf32>
        tpu.vector_store %swap3A_374[%swap3A_375, %swap3A_376], %swap3A_379 {strides = array<i32>} : memref<16x1024xf32, #tpu.memory_space<vmem>>, vector<1x16xf32>,
        %add3A_380 = arith.constant 96 : i32
        %add3A_381 = arith.addi %multiple_of3A, %add3A_380 : i32
        %get3A_382 = arith.constant 16 : i32
        %get3A_383 = arith.constant 0 : i32
        %get3A_384 = tpu.memref_slice %arg6[%get3A_382, %get3A_383] : memref<64x1024xf32, #tpu.memory_space<vmem>> -> memref<16x1024xf32, #tpu.memory_space<vmem>>
        %get3A_385 = arith.index_cast %shift_right_logical3A_259 : i32 to index
        %get3A_386 = arith.index_cast %add3A_381 : i32 to index
        %get3A_387 = tpu.vector_load %get3A_384[%get3A_385, %get3A_386] {strides = array<i32>} : memref<16x1024xf32, #tpu.memory_space<vmem>>, vector<1x16xf32>,
        %get3A_388 = vector.shape_cast %get3A_387 : vector<1x16xf32> to vector<16xf32>
        %mul3A_389 = arith.constant 3.200000e+01 : f32
        %mul3A_390 = vector.broadcast %mul3A_389 : f32 to vector<16xf32>
        %mul3A_391 = arith.mulf %get3A_388, %mul3A_390 : vector<16xf32>
        %swap3A_392 = arith.constant 16 : i32
        %swap3A_393 = arith.constant 0 : i32
        %swap3A_394 = tpu.memref_slice %arg7[%swap3A_392, %swap3A_393] : memref<48x1024xf32, #tpu.memory_space<vmem>> -> memref<16x1024xf32, #tpu.memory_space<vmem>>
        %swap3A_395 = arith.index_cast %shift_right_logical3A_259 : i32 to index
        %swap3A_396 = arith.index_cast %add3A_381 : i32 to index
        %swap3A_397 = tpu.vector_load %swap3A_394[%swap3A_395, %swap3A_396] {strides = array<i32>} : memref<16x1024xf32, #tpu.memory_space<vmem>>, vector<1x16xf32>,
        %swap3A_398 = vector.shape_cast %swap3A_397 : vector<1x16xf32> to vector<16xf32>
        %swap3A_399 = vector.shape_cast %mul3A_391 : vector<16xf32> to vector<1x16xf32>
        tpu.vector_store %swap3A_394[%swap3A_395, %swap3A_396], %swap3A_399 {strides = array<i32>} : memref<16x1024xf32, #tpu.memory_space<vmem>>, vector<1x16xf32>,
        %add3A_400 = arith.constant 112 : i32
        %add3A_401 = arith.addi %multiple_of3A, %add3A_400 : i32
        %get3A_402 = arith.constant 16 : i32
        %get3A_403 = arith.constant 0 : i32
        %get3A_404 = tpu.memref_slice %arg6[%get3A_402, %get3A_403] : memref<64x1024xf32, #tpu.memory_space<vmem>> -> memref<16x1024xf32, #tpu.memory_space<vmem>>
        %get3A_405 = arith.index_cast %shift_right_logical3A_259 : i32 to index
        %get3A_406 = arith.index_cast %add3A_401 : i32 to index
        %get3A_407 = tpu.vector_load %get3A_404[%get3A_405, %get3A_406] {strides = array<i32>} : memref<16x1024xf32, #tpu.memory_space<vmem>>, vector<1x16xf32>,
        %get3A_408 = vector.shape_cast %get3A_407 : vector<1x16xf32> to vector<16xf32>
        %mul3A_409 = arith.constant 3.200000e+01 : f32
        %mul3A_410 = vector.broadcast %mul3A_409 : f32 to vector<16xf32>
        %mul3A_411 = arith.mulf %get3A_408, %mul3A_410 : vector<16xf32>
        %swap3A_412 = arith.constant 16 : i32
        %swap3A_413 = arith.constant 0 : i32
        %swap3A_414 = tpu.memref_slice %arg7[%swap3A_412, %swap3A_413] : memref<48x1024xf32, #tpu.memory_space<vmem>> -> memref<16x1024xf32, #tpu.memory_space<vmem>>
        %swap3A_415 = arith.index_cast %shift_right_logical3A_259 : i32 to index
        %swap3A_416 = arith.index_cast %add3A_401 : i32 to index
        %swap3A_417 = tpu.vector_load %swap3A_414[%swap3A_415, %swap3A_416] {strides = array<i32>} : memref<16x1024xf32, #tpu.memory_space<vmem>>, vector<1x16xf32>,
        %swap3A_418 = vector.shape_cast %swap3A_417 : vector<1x16xf32> to vector<16xf32>
        %swap3A_419 = vector.shape_cast %mul3A_411 : vector<16xf32> to vector<1x16xf32>
        tpu.vector_store %swap3A_414[%swap3A_415, %swap3A_416], %swap3A_419 {strides = array<i32>} : memref<16x1024xf32, #tpu.memory_space<vmem>>, vector<1x16xf32>,
      }
      %scan3A_142 = arith.constant 128 : i32
      %lt3A_143 = arith.constant 15 : i32
      %lt3A_144 = arith.cmpi slt, %scan3A_74, %lt3A_143 : i32
      %convert_element_type3A_145 = arith.extui %lt3A_144 : i1 to i32
      %cond3A_146 = arith.constant 0 : i32
      %cond3A_147 = arith.cmpi ne, %convert_element_type3A_145, %cond3A_146 : i32
      scf.if %cond3A_147 {
        %add3A_258 = arith.constant 4 : i32
        %add3A_259 = arith.addi %add3A_119, %add3A_258 : i32
        %mul3A_260 = arith.constant 16 : i32
        %mul3A_261 = arith.muli %add3A_259, %mul3A_260 : i32
        %dma_start3A_262 = arith.constant 16 : i32
        %dma_start3A_263 = arith.constant 0 : i32
        %dma_start3A_264 = tpu.memref_slice %arg6[%dma_start3A_262, %dma_start3A_263] : memref<64x1024xf32, #tpu.memory_space<vmem>> -> memref<16x1024xf32, #tpu.memory_space<vmem>>
        %dma_start3A_265 = tpu.memref_slice %arg5[%mul3A_261] : memref<1024xi32, #tpu.memory_space<vmem>> -> memref<16xi32, #tpu.memory_space<vmem>>
        %dma_start3A_266 = arith.constant 0 : i32
        %dma_start3A_267 = arith.constant 0 : i32
        %dma_start3A_268 = tpu.memref_slice %arg2[%dma_start3A_266, %dma_start3A_267] : memref<100000x1024xf32, #tpu.memory_space<hbm>> -> memref<100000x1024xf32, #tpu.memory_space<hbm>>
        tpu.enqueue_indirect_dma source(%dma_start3A_268 : memref<100000x1024xf32, #tpu.memory_space<hbm>>) target(%dma_start3A_264 : memref<16x1024xf32, #tpu.memory_space<vmem>>) offsets(%dma_start3A_265 : memref<16xi32, #tpu.memory_space<vmem>>) semaphore(%arg9 : memref<!tpu.dma_semaphore, #tpu.memory_space<semaphore_mem>>)
      } else {
      }
      %mul3A_148 = arith.constant 16 : i32
      %mul3A_149 = arith.muli %add3A_119, %mul3A_148 : i32
      %add3A_150 = arith.addi %mul3A_2, %mul3A_149 : i32
      %dma_start3A_151 = arith.constant 16 : i32
      %dma_start3A_152 = arith.constant 0 : i32
      %dma_start3A_153 = tpu.memref_slice %arg7[%dma_start3A_151, %dma_start3A_152] : memref<48x1024xf32, #tpu.memory_space<vmem>> -> memref<16x1024xf32, #tpu.memory_space<vmem>>
      %dma_start3A_154 = arith.constant 0 : i32
      %dma_start3A_155 = tpu.memref_slice %arg4[%add3A_150, %dma_start3A_154] : memref<32768x1024xf32, #tpu.memory_space<hbm>> -> memref<16x1024xf32, #tpu.memory_space<hbm>>
      %dma_start3A_156 = arith.constant 0 : i32
      %dma_start3A_157 = tpu.memref_slice %arg4[%add3A_150, %dma_start3A_156] : memref<32768x1024xf32, #tpu.memory_space<hbm>> -> memref<16x1024xf32, #tpu.memory_space<hbm>>
      %dma_start3A_158 = arith.constant 16 : i32
      %dma_start3A_159 = arith.constant 0 : i32
      %dma_start3A_160 = tpu.memref_slice %arg7[%dma_start3A_158, %dma_start3A_159] : memref<48x1024xf32, #tpu.memory_space<vmem>> -> memref<16x1024xf32, #tpu.memory_space<vmem>>
      tpu.enqueue_dma source(%dma_start3A_160 : memref<16x1024xf32, #tpu.memory_space<vmem>>) target(%dma_start3A_157 : memref<16x1024xf32, #tpu.memory_space<hbm>>) target_semaphore(%arg13 : memref<!tpu.dma_semaphore, #tpu.memory_space<semaphore_mem>>)
      %mul3A_161 = arith.constant 4 : i32
      %mul3A_162 = arith.muli %scan3A_74, %mul3A_161 : i32
      %add3A_163 = arith.constant 2 : i32
      %add3A_164 = arith.addi %mul3A_162, %add3A_163 : i32
      %dma_wait3A_165 = arith.constant 32 : i32
      %dma_wait3A_166 = arith.constant 0 : i32
      %dma_wait3A_167 = tpu.memref_slice %arg6[%dma_wait3A_165, %dma_wait3A_166] : memref<64x1024xf32, #tpu.memory_space<vmem>> -> memref<16x1024xf32, #tpu.memory_space<vmem>>
      %dma_wait3A_168 = arith.constant 0 : i32
      %dma_wait3A_169 = arith.constant 0 : i32
      %dma_wait3A_170 = tpu.memref_slice %arg2[%dma_wait3A_168, %dma_wait3A_169] : memref<100000x1024xf32, #tpu.memory_space<hbm>> -> memref<16x1024xf32, #tpu.memory_space<hbm>>
      %dma_wait3A_171 = arith.constant 32 : i32
      %dma_wait3A_172 = arith.constant 0 : i32
      %dma_wait3A_173 = tpu.memref_slice %arg6[%dma_wait3A_171, %dma_wait3A_172] : memref<64x1024xf32, #tpu.memory_space<vmem>> -> memref<16x1024xf32, #tpu.memory_space<vmem>>
      %dma_wait3A_174 = arith.constant 0 : i32
      %dma_wait3A_175 = arith.constant 0 : i32
      %dma_wait3A_176 = tpu.memref_slice %arg2[%dma_wait3A_174, %dma_wait3A_175] : memref<100000x1024xf32, #tpu.memory_space<hbm>> -> memref<16x1024xf32, #tpu.memory_space<hbm>>
      tpu.wait_dma2 semaphore(%arg10 : memref<!tpu.dma_semaphore, #tpu.memory_space<semaphore_mem>>) src(%dma_wait3A_176 : memref<16x1024xf32, #tpu.memory_space<hbm>>) dst(%dma_wait3A_173 : memref<16x1024xf32, #tpu.memory_space<vmem>>)
      %gt3A_177 = arith.constant 0 : i32
      %gt3A_178 = arith.cmpi sgt, %scan3A_74, %gt3A_177 : i32
      %convert_element_type3A_179 = arith.extui %gt3A_178 : i1 to i32
      %cond3A_180 = arith.constant 0 : i32
      %cond3A_181 = arith.cmpi ne, %convert_element_type3A_179, %cond3A_180 : i32
      scf.if %cond3A_181 {
        %dma_wait3A_258 = arith.constant 32 : i32
        %dma_wait3A_259 = arith.constant 0 : i32
        %dma_wait3A_260 = tpu.memref_slice %arg7[%dma_wait3A_258, %dma_wait3A_259] : memref<48x1024xf32, #tpu.memory_space<vmem>> -> memref<16x1024xf32, #tpu.memory_space<vmem>>
        %dma_wait3A_261 = arith.constant 0 : i32
        %dma_wait3A_262 = arith.constant 0 : i32
        %dma_wait3A_263 = tpu.memref_slice %arg4[%dma_wait3A_261, %dma_wait3A_262] : memref<32768x1024xf32, #tpu.memory_space<hbm>> -> memref<16x1024xf32, #tpu.memory_space<hbm>>
        %dma_wait3A_264 = arith.constant 0 : i32
        %dma_wait3A_265 = arith.constant 0 : i32
        %dma_wait3A_266 = tpu.memref_slice %arg4[%dma_wait3A_264, %dma_wait3A_265] : memref<32768x1024xf32, #tpu.memory_space<hbm>> -> memref<16x1024xf32, #tpu.memory_space<hbm>>
        %dma_wait3A_267 = arith.constant 32 : i32
        %dma_wait3A_268 = arith.constant 0 : i32
        %dma_wait3A_269 = tpu.memref_slice %arg7[%dma_wait3A_267, %dma_wait3A_268] : memref<48x1024xf32, #tpu.memory_space<vmem>> -> memref<16x1024xf32, #tpu.memory_space<vmem>>
        tpu.wait_dma2 semaphore(%arg14 : memref<!tpu.dma_semaphore, #tpu.memory_space<semaphore_mem>>) src(%dma_wait3A_269 : memref<16x1024xf32, #tpu.memory_space<vmem>>) dst(%dma_wait3A_266 : memref<16x1024xf32, #tpu.memory_space<hbm>>)
      } else {
      }
      %scan3A_182 = arith.constant 0 : i32
      %scan3A_183 = arith.constant 0 : i32
      %scan3A_184 = arith.constant 128 : i32
      %scan3A_185 = arith.addi %scan3A_183, %scan3A_184 : i32
      %scan3A_186 = arith.constant 1 : i32
      scf.for %scan3A_258 = %scan3A_183 to %scan3A_185 step %scan3A_186  : i32 {
        %shift_right_logical3A = arith.constant 3 : i32
        %shift_right_logical3A_259 = arith.shrui %scan3A_258, %shift_right_logical3A : i32
        %and3A = arith.constant 7 : i32
        %and3A_260 = arith.andi %scan3A_258, %and3A : i32
        %shift_left3A = arith.constant 7 : i32
        %shift_left3A_261 = arith.shli %and3A_260, %shift_left3A : i32
        %multiple_of3A = tpu.assume_multiple %shift_left3A_261, 128 : i32
        %add3A_262 = arith.constant 0 : i32
        %add3A_263 = arith.addi %multiple_of3A, %add3A_262 : i32
        %get3A = arith.constant 32 : i32
        %get3A_264 = arith.constant 0 : i32
        %get3A_265 = tpu.memref_slice %arg6[%get3A, %get3A_264] : memref<64x1024xf32, #tpu.memory_space<vmem>> -> memref<16x1024xf32, #tpu.memory_space<vmem>>
        %get3A_266 = arith.index_cast %shift_right_logical3A_259 : i32 to index
        %get3A_267 = arith.index_cast %add3A_263 : i32 to index
        %get3A_268 = tpu.vector_load %get3A_265[%get3A_266, %get3A_267] {strides = array<i32>} : memref<16x1024xf32, #tpu.memory_space<vmem>>, vector<1x16xf32>,
        %get3A_269 = vector.shape_cast %get3A_268 : vector<1x16xf32> to vector<16xf32>
        %mul3A_270 = arith.constant 3.200000e+01 : f32
        %mul3A_271 = vector.broadcast %mul3A_270 : f32 to vector<16xf32>
        %mul3A_272 = arith.mulf %get3A_269, %mul3A_271 : vector<16xf32>
        %swap3A = arith.constant 32 : i32
        %swap3A_273 = arith.constant 0 : i32
        %swap3A_274 = tpu.memref_slice %arg7[%swap3A, %swap3A_273] : memref<48x1024xf32, #tpu.memory_space<vmem>> -> memref<16x1024xf32, #tpu.memory_space<vmem>>
        %swap3A_275 = arith.index_cast %shift_right_logical3A_259 : i32 to index
        %swap3A_276 = arith.index_cast %add3A_263 : i32 to index
        %swap3A_277 = tpu.vector_load %swap3A_274[%swap3A_275, %swap3A_276] {strides = array<i32>} : memref<16x1024xf32, #tpu.memory_space<vmem>>, vector<1x16xf32>,
        %swap3A_278 = vector.shape_cast %swap3A_277 : vector<1x16xf32> to vector<16xf32>
        %swap3A_279 = vector.shape_cast %mul3A_272 : vector<16xf32> to vector<1x16xf32>
        tpu.vector_store %swap3A_274[%swap3A_275, %swap3A_276], %swap3A_279 {strides = array<i32>} : memref<16x1024xf32, #tpu.memory_space<vmem>>, vector<1x16xf32>,
        %add3A_280 = arith.constant 16 : i32
        %add3A_281 = arith.addi %multiple_of3A, %add3A_280 : i32
        %get3A_282 = arith.constant 32 : i32
        %get3A_283 = arith.constant 0 : i32
        %get3A_284 = tpu.memref_slice %arg6[%get3A_282, %get3A_283] : memref<64x1024xf32, #tpu.memory_space<vmem>> -> memref<16x1024xf32, #tpu.memory_space<vmem>>
        %get3A_285 = arith.index_cast %shift_right_logical3A_259 : i32 to index
        %get3A_286 = arith.index_cast %add3A_281 : i32 to index
        %get3A_287 = tpu.vector_load %get3A_284[%get3A_285, %get3A_286] {strides = array<i32>} : memref<16x1024xf32, #tpu.memory_space<vmem>>, vector<1x16xf32>,
        %get3A_288 = vector.shape_cast %get3A_287 : vector<1x16xf32> to vector<16xf32>
        %mul3A_289 = arith.constant 3.200000e+01 : f32
        %mul3A_290 = vector.broadcast %mul3A_289 : f32 to vector<16xf32>
        %mul3A_291 = arith.mulf %get3A_288, %mul3A_290 : vector<16xf32>
        %swap3A_292 = arith.constant 32 : i32
        %swap3A_293 = arith.constant 0 : i32
        %swap3A_294 = tpu.memref_slice %arg7[%swap3A_292, %swap3A_293] : memref<48x1024xf32, #tpu.memory_space<vmem>> -> memref<16x1024xf32, #tpu.memory_space<vmem>>
        %swap3A_295 = arith.index_cast %shift_right_logical3A_259 : i32 to index
        %swap3A_296 = arith.index_cast %add3A_281 : i32 to index
        %swap3A_297 = tpu.vector_load %swap3A_294[%swap3A_295, %swap3A_296] {strides = array<i32>} : memref<16x1024xf32, #tpu.memory_space<vmem>>, vector<1x16xf32>,
        %swap3A_298 = vector.shape_cast %swap3A_297 : vector<1x16xf32> to vector<16xf32>
        %swap3A_299 = vector.shape_cast %mul3A_291 : vector<16xf32> to vector<1x16xf32>
        tpu.vector_store %swap3A_294[%swap3A_295, %swap3A_296], %swap3A_299 {strides = array<i32>} : memref<16x1024xf32, #tpu.memory_space<vmem>>, vector<1x16xf32>,
        %add3A_300 = arith.constant 32 : i32
        %add3A_301 = arith.addi %multiple_of3A, %add3A_300 : i32
        %get3A_302 = arith.constant 32 : i32
        %get3A_303 = arith.constant 0 : i32
        %get3A_304 = tpu.memref_slice %arg6[%get3A_302, %get3A_303] : memref<64x1024xf32, #tpu.memory_space<vmem>> -> memref<16x1024xf32, #tpu.memory_space<vmem>>
        %get3A_305 = arith.index_cast %shift_right_logical3A_259 : i32 to index
        %get3A_306 = arith.index_cast %add3A_301 : i32 to index
        %get3A_307 = tpu.vector_load %get3A_304[%get3A_305, %get3A_306] {strides = array<i32>} : memref<16x1024xf32, #tpu.memory_space<vmem>>, vector<1x16xf32>,
        %get3A_308 = vector.shape_cast %get3A_307 : vector<1x16xf32> to vector<16xf32>
        %mul3A_309 = arith.constant 3.200000e+01 : f32
        %mul3A_310 = vector.broadcast %mul3A_309 : f32 to vector<16xf32>
        %mul3A_311 = arith.mulf %get3A_308, %mul3A_310 : vector<16xf32>
        %swap3A_312 = arith.constant 32 : i32
        %swap3A_313 = arith.constant 0 : i32
        %swap3A_314 = tpu.memref_slice %arg7[%swap3A_312, %swap3A_313] : memref<48x1024xf32, #tpu.memory_space<vmem>> -> memref<16x1024xf32, #tpu.memory_space<vmem>>
        %swap3A_315 = arith.index_cast %shift_right_logical3A_259 : i32 to index
        %swap3A_316 = arith.index_cast %add3A_301 : i32 to index
        %swap3A_317 = tpu.vector_load %swap3A_314[%swap3A_315, %swap3A_316] {strides = array<i32>} : memref<16x1024xf32, #tpu.memory_space<vmem>>, vector<1x16xf32>,
        %swap3A_318 = vector.shape_cast %swap3A_317 : vector<1x16xf32> to vector<16xf32>
        %swap3A_319 = vector.shape_cast %mul3A_311 : vector<16xf32> to vector<1x16xf32>
        tpu.vector_store %swap3A_314[%swap3A_315, %swap3A_316], %swap3A_319 {strides = array<i32>} : memref<16x1024xf32, #tpu.memory_space<vmem>>, vector<1x16xf32>,
        %add3A_320 = arith.constant 48 : i32
        %add3A_321 = arith.addi %multiple_of3A, %add3A_320 : i32
        %get3A_322 = arith.constant 32 : i32
        %get3A_323 = arith.constant 0 : i32
        %get3A_324 = tpu.memref_slice %arg6[%get3A_322, %get3A_323] : memref<64x1024xf32, #tpu.memory_space<vmem>> -> memref<16x1024xf32, #tpu.memory_space<vmem>>
        %get3A_325 = arith.index_cast %shift_right_logical3A_259 : i32 to index
        %get3A_326 = arith.index_cast %add3A_321 : i32 to index
        %get3A_327 = tpu.vector_load %get3A_324[%get3A_325, %get3A_326] {strides = array<i32>} : memref<16x1024xf32, #tpu.memory_space<vmem>>, vector<1x16xf32>,
        %get3A_328 = vector.shape_cast %get3A_327 : vector<1x16xf32> to vector<16xf32>
        %mul3A_329 = arith.constant 3.200000e+01 : f32
        %mul3A_330 = vector.broadcast %mul3A_329 : f32 to vector<16xf32>
        %mul3A_331 = arith.mulf %get3A_328, %mul3A_330 : vector<16xf32>
        %swap3A_332 = arith.constant 32 : i32
        %swap3A_333 = arith.constant 0 : i32
        %swap3A_334 = tpu.memref_slice %arg7[%swap3A_332, %swap3A_333] : memref<48x1024xf32, #tpu.memory_space<vmem>> -> memref<16x1024xf32, #tpu.memory_space<vmem>>
        %swap3A_335 = arith.index_cast %shift_right_logical3A_259 : i32 to index
        %swap3A_336 = arith.index_cast %add3A_321 : i32 to index
        %swap3A_337 = tpu.vector_load %swap3A_334[%swap3A_335, %swap3A_336] {strides = array<i32>} : memref<16x1024xf32, #tpu.memory_space<vmem>>, vector<1x16xf32>,
        %swap3A_338 = vector.shape_cast %swap3A_337 : vector<1x16xf32> to vector<16xf32>
        %swap3A_339 = vector.shape_cast %mul3A_331 : vector<16xf32> to vector<1x16xf32>
        tpu.vector_store %swap3A_334[%swap3A_335, %swap3A_336], %swap3A_339 {strides = array<i32>} : memref<16x1024xf32, #tpu.memory_space<vmem>>, vector<1x16xf32>,
        %add3A_340 = arith.constant 64 : i32
        %add3A_341 = arith.addi %multiple_of3A, %add3A_340 : i32
        %get3A_342 = arith.constant 32 : i32
        %get3A_343 = arith.constant 0 : i32
        %get3A_344 = tpu.memref_slice %arg6[%get3A_342, %get3A_343] : memref<64x1024xf32, #tpu.memory_space<vmem>> -> memref<16x1024xf32, #tpu.memory_space<vmem>>
        %get3A_345 = arith.index_cast %shift_right_logical3A_259 : i32 to index
        %get3A_346 = arith.index_cast %add3A_341 : i32 to index
        %get3A_347 = tpu.vector_load %get3A_344[%get3A_345, %get3A_346] {strides = array<i32>} : memref<16x1024xf32, #tpu.memory_space<vmem>>, vector<1x16xf32>,
        %get3A_348 = vector.shape_cast %get3A_347 : vector<1x16xf32> to vector<16xf32>
        %mul3A_349 = arith.constant 3.200000e+01 : f32
        %mul3A_350 = vector.broadcast %mul3A_349 : f32 to vector<16xf32>
        %mul3A_351 = arith.mulf %get3A_348, %mul3A_350 : vector<16xf32>
        %swap3A_352 = arith.constant 32 : i32
        %swap3A_353 = arith.constant 0 : i32
        %swap3A_354 = tpu.memref_slice %arg7[%swap3A_352, %swap3A_353] : memref<48x1024xf32, #tpu.memory_space<vmem>> -> memref<16x1024xf32, #tpu.memory_space<vmem>>
        %swap3A_355 = arith.index_cast %shift_right_logical3A_259 : i32 to index
        %swap3A_356 = arith.index_cast %add3A_341 : i32 to index
        %swap3A_357 = tpu.vector_load %swap3A_354[%swap3A_355, %swap3A_356] {strides = array<i32>} : memref<16x1024xf32, #tpu.memory_space<vmem>>, vector<1x16xf32>,
        %swap3A_358 = vector.shape_cast %swap3A_357 : vector<1x16xf32> to vector<16xf32>
        %swap3A_359 = vector.shape_cast %mul3A_351 : vector<16xf32> to vector<1x16xf32>
        tpu.vector_store %swap3A_354[%swap3A_355, %swap3A_356], %swap3A_359 {strides = array<i32>} : memref<16x1024xf32, #tpu.memory_space<vmem>>, vector<1x16xf32>,
        %add3A_360 = arith.constant 80 : i32
        %add3A_361 = arith.addi %multiple_of3A, %add3A_360 : i32
        %get3A_362 = arith.constant 32 : i32
        %get3A_363 = arith.constant 0 : i32
        %get3A_364 = tpu.memref_slice %arg6[%get3A_362, %get3A_363] : memref<64x1024xf32, #tpu.memory_space<vmem>> -> memref<16x1024xf32, #tpu.memory_space<vmem>>
        %get3A_365 = arith.index_cast %shift_right_logical3A_259 : i32 to index
        %get3A_366 = arith.index_cast %add3A_361 : i32 to index
        %get3A_367 = tpu.vector_load %get3A_364[%get3A_365, %get3A_366] {strides = array<i32>} : memref<16x1024xf32, #tpu.memory_space<vmem>>, vector<1x16xf32>,
        %get3A_368 = vector.shape_cast %get3A_367 : vector<1x16xf32> to vector<16xf32>
        %mul3A_369 = arith.constant 3.200000e+01 : f32
        %mul3A_370 = vector.broadcast %mul3A_369 : f32 to vector<16xf32>
        %mul3A_371 = arith.mulf %get3A_368, %mul3A_370 : vector<16xf32>
        %swap3A_372 = arith.constant 32 : i32
        %swap3A_373 = arith.constant 0 : i32
        %swap3A_374 = tpu.memref_slice %arg7[%swap3A_372, %swap3A_373] : memref<48x1024xf32, #tpu.memory_space<vmem>> -> memref<16x1024xf32, #tpu.memory_space<vmem>>
        %swap3A_375 = arith.index_cast %shift_right_logical3A_259 : i32 to index
        %swap3A_376 = arith.index_cast %add3A_361 : i32 to index
        %swap3A_377 = tpu.vector_load %swap3A_374[%swap3A_375, %swap3A_376] {strides = array<i32>} : memref<16x1024xf32, #tpu.memory_space<vmem>>, vector<1x16xf32>,
        %swap3A_378 = vector.shape_cast %swap3A_377 : vector<1x16xf32> to vector<16xf32>
        %swap3A_379 = vector.shape_cast %mul3A_371 : vector<16xf32> to vector<1x16xf32>
        tpu.vector_store %swap3A_374[%swap3A_375, %swap3A_376], %swap3A_379 {strides = array<i32>} : memref<16x1024xf32, #tpu.memory_space<vmem>>, vector<1x16xf32>,
        %add3A_380 = arith.constant 96 : i32
        %add3A_381 = arith.addi %multiple_of3A, %add3A_380 : i32
        %get3A_382 = arith.constant 32 : i32
        %get3A_383 = arith.constant 0 : i32
        %get3A_384 = tpu.memref_slice %arg6[%get3A_382, %get3A_383] : memref<64x1024xf32, #tpu.memory_space<vmem>> -> memref<16x1024xf32, #tpu.memory_space<vmem>>
        %get3A_385 = arith.index_cast %shift_right_logical3A_259 : i32 to index
        %get3A_386 = arith.index_cast %add3A_381 : i32 to index
        %get3A_387 = tpu.vector_load %get3A_384[%get3A_385, %get3A_386] {strides = array<i32>} : memref<16x1024xf32, #tpu.memory_space<vmem>>, vector<1x16xf32>,
        %get3A_388 = vector.shape_cast %get3A_387 : vector<1x16xf32> to vector<16xf32>
        %mul3A_389 = arith.constant 3.200000e+01 : f32
        %mul3A_390 = vector.broadcast %mul3A_389 : f32 to vector<16xf32>
        %mul3A_391 = arith.mulf %get3A_388, %mul3A_390 : vector<16xf32>
        %swap3A_392 = arith.constant 32 : i32
        %swap3A_393 = arith.constant 0 : i32
        %swap3A_394 = tpu.memref_slice %arg7[%swap3A_392, %swap3A_393] : memref<48x1024xf32, #tpu.memory_space<vmem>> -> memref<16x1024xf32, #tpu.memory_space<vmem>>
        %swap3A_395 = arith.index_cast %shift_right_logical3A_259 : i32 to index
        %swap3A_396 = arith.index_cast %add3A_381 : i32 to index
        %swap3A_397 = tpu.vector_load %swap3A_394[%swap3A_395, %swap3A_396] {strides = array<i32>} : memref<16x1024xf32, #tpu.memory_space<vmem>>, vector<1x16xf32>,
        %swap3A_398 = vector.shape_cast %swap3A_397 : vector<1x16xf32> to vector<16xf32>
        %swap3A_399 = vector.shape_cast %mul3A_391 : vector<16xf32> to vector<1x16xf32>
        tpu.vector_store %swap3A_394[%swap3A_395, %swap3A_396], %swap3A_399 {strides = array<i32>} : memref<16x1024xf32, #tpu.memory_space<vmem>>, vector<1x16xf32>,
        %add3A_400 = arith.constant 112 : i32
        %add3A_401 = arith.addi %multiple_of3A, %add3A_400 : i32
        %get3A_402 = arith.constant 32 : i32
        %get3A_403 = arith.constant 0 : i32
        %get3A_404 = tpu.memref_slice %arg6[%get3A_402, %get3A_403] : memref<64x1024xf32, #tpu.memory_space<vmem>> -> memref<16x1024xf32, #tpu.memory_space<vmem>>
        %get3A_405 = arith.index_cast %shift_right_logical3A_259 : i32 to index
        %get3A_406 = arith.index_cast %add3A_401 : i32 to index
        %get3A_407 = tpu.vector_load %get3A_404[%get3A_405, %get3A_406] {strides = array<i32>} : memref<16x1024xf32, #tpu.memory_space<vmem>>, vector<1x16xf32>,
        %get3A_408 = vector.shape_cast %get3A_407 : vector<1x16xf32> to vector<16xf32>
        %mul3A_409 = arith.constant 3.200000e+01 : f32
        %mul3A_410 = vector.broadcast %mul3A_409 : f32 to vector<16xf32>
        %mul3A_411 = arith.mulf %get3A_408, %mul3A_410 : vector<16xf32>
        %swap3A_412 = arith.constant 32 : i32
        %swap3A_413 = arith.constant 0 : i32
        %swap3A_414 = tpu.memref_slice %arg7[%swap3A_412, %swap3A_413] : memref<48x1024xf32, #tpu.memory_space<vmem>> -> memref<16x1024xf32, #tpu.memory_space<vmem>>
        %swap3A_415 = arith.index_cast %shift_right_logical3A_259 : i32 to index
        %swap3A_416 = arith.index_cast %add3A_401 : i32 to index
        %swap3A_417 = tpu.vector_load %swap3A_414[%swap3A_415, %swap3A_416] {strides = array<i32>} : memref<16x1024xf32, #tpu.memory_space<vmem>>, vector<1x16xf32>,
        %swap3A_418 = vector.shape_cast %swap3A_417 : vector<1x16xf32> to vector<16xf32>
        %swap3A_419 = vector.shape_cast %mul3A_411 : vector<16xf32> to vector<1x16xf32>
        tpu.vector_store %swap3A_414[%swap3A_415, %swap3A_416], %swap3A_419 {strides = array<i32>} : memref<16x1024xf32, #tpu.memory_space<vmem>>, vector<1x16xf32>,
      }
      %scan3A_187 = arith.constant 128 : i32
      %lt3A_188 = arith.constant 15 : i32
      %lt3A_189 = arith.cmpi slt, %scan3A_74, %lt3A_188 : i32
      %convert_element_type3A_190 = arith.extui %lt3A_189 : i1 to i32
      %cond3A_191 = arith.constant 0 : i32
      %cond3A_192 = arith.cmpi ne, %convert_element_type3A_190, %cond3A_191 : i32
      scf.if %cond3A_192 {
        %add3A_258 = arith.constant 4 : i32
        %add3A_259 = arith.addi %add3A_164, %add3A_258 : i32
        %mul3A_260 = arith.constant 16 : i32
        %mul3A_261 = arith.muli %add3A_259, %mul3A_260 : i32
        %dma_start3A_262 = arith.constant 32 : i32
        %dma_start3A_263 = arith.constant 0 : i32
        %dma_start3A_264 = tpu.memref_slice %arg6[%dma_start3A_262, %dma_start3A_263] : memref<64x1024xf32, #tpu.memory_space<vmem>> -> memref<16x1024xf32, #tpu.memory_space<vmem>>
        %dma_start3A_265 = tpu.memref_slice %arg5[%mul3A_261] : memref<1024xi32, #tpu.memory_space<vmem>> -> memref<16xi32, #tpu.memory_space<vmem>>
        %dma_start3A_266 = arith.constant 0 : i32
        %dma_start3A_267 = arith.constant 0 : i32
        %dma_start3A_268 = tpu.memref_slice %arg2[%dma_start3A_266, %dma_start3A_267] : memref<100000x1024xf32, #tpu.memory_space<hbm>> -> memref<100000x1024xf32, #tpu.memory_space<hbm>>
        tpu.enqueue_indirect_dma source(%dma_start3A_268 : memref<100000x1024xf32, #tpu.memory_space<hbm>>) target(%dma_start3A_264 : memref<16x1024xf32, #tpu.memory_space<vmem>>) offsets(%dma_start3A_265 : memref<16xi32, #tpu.memory_space<vmem>>) semaphore(%arg10 : memref<!tpu.dma_semaphore, #tpu.memory_space<semaphore_mem>>)
      } else {
      }
      %mul3A_193 = arith.constant 16 : i32
      %mul3A_194 = arith.muli %add3A_164, %mul3A_193 : i32
      %add3A_195 = arith.addi %mul3A_2, %mul3A_194 : i32
      %dma_start3A_196 = arith.constant 32 : i32
      %dma_start3A_197 = arith.constant 0 : i32
      %dma_start3A_198 = tpu.memref_slice %arg7[%dma_start3A_196, %dma_start3A_197] : memref<48x1024xf32, #tpu.memory_space<vmem>> -> memref<16x1024xf32, #tpu.memory_space<vmem>>
      %dma_start3A_199 = arith.constant 0 : i32
      %dma_start3A_200 = tpu.memref_slice %arg4[%add3A_195, %dma_start3A_199] : memref<32768x1024xf32, #tpu.memory_space<hbm>> -> memref<16x1024xf32, #tpu.memory_space<hbm>>
      %dma_start3A_201 = arith.constant 0 : i32
      %dma_start3A_202 = tpu.memref_slice %arg4[%add3A_195, %dma_start3A_201] : memref<32768x1024xf32, #tpu.memory_space<hbm>> -> memref<16x1024xf32, #tpu.memory_space<hbm>>
      %dma_start3A_203 = arith.constant 32 : i32
      %dma_start3A_204 = arith.constant 0 : i32
      %dma_start3A_205 = tpu.memref_slice %arg7[%dma_start3A_203, %dma_start3A_204] : memref<48x1024xf32, #tpu.memory_space<vmem>> -> memref<16x1024xf32, #tpu.memory_space<vmem>>
      tpu.enqueue_dma source(%dma_start3A_205 : memref<16x1024xf32, #tpu.memory_space<vmem>>) target(%dma_start3A_202 : memref<16x1024xf32, #tpu.memory_space<hbm>>) target_semaphore(%arg14 : memref<!tpu.dma_semaphore, #tpu.memory_space<semaphore_mem>>)
      %mul3A_206 = arith.constant 4 : i32
      %mul3A_207 = arith.muli %scan3A_74, %mul3A_206 : i32
      %add3A_208 = arith.constant 3 : i32
      %add3A_209 = arith.addi %mul3A_207, %add3A_208 : i32
      %dma_wait3A_210 = arith.constant 48 : i32
      %dma_wait3A_211 = arith.constant 0 : i32
      %dma_wait3A_212 = tpu.memref_slice %arg6[%dma_wait3A_210, %dma_wait3A_211] : memref<64x1024xf32, #tpu.memory_space<vmem>> -> memref<16x1024xf32, #tpu.memory_space<vmem>>
      %dma_wait3A_213 = arith.constant 0 : i32
      %dma_wait3A_214 = arith.constant 0 : i32
      %dma_wait3A_215 = tpu.memref_slice %arg2[%dma_wait3A_213, %dma_wait3A_214] : memref<100000x1024xf32, #tpu.memory_space<hbm>> -> memref<16x1024xf32, #tpu.memory_space<hbm>>
      %dma_wait3A_216 = arith.constant 48 : i32
      %dma_wait3A_217 = arith.constant 0 : i32
      %dma_wait3A_218 = tpu.memref_slice %arg6[%dma_wait3A_216, %dma_wait3A_217] : memref<64x1024xf32, #tpu.memory_space<vmem>> -> memref<16x1024xf32, #tpu.memory_space<vmem>>
      %dma_wait3A_219 = arith.constant 0 : i32
      %dma_wait3A_220 = arith.constant 0 : i32
      %dma_wait3A_221 = tpu.memref_slice %arg2[%dma_wait3A_219, %dma_wait3A_220] : memref<100000x1024xf32, #tpu.memory_space<hbm>> -> memref<16x1024xf32, #tpu.memory_space<hbm>>
      tpu.wait_dma2 semaphore(%arg11 : memref<!tpu.dma_semaphore, #tpu.memory_space<semaphore_mem>>) src(%dma_wait3A_221 : memref<16x1024xf32, #tpu.memory_space<hbm>>) dst(%dma_wait3A_218 : memref<16x1024xf32, #tpu.memory_space<vmem>>)
      %dma_wait3A_222 = arith.constant 16 : i32
      %dma_wait3A_223 = arith.constant 0 : i32
      %dma_wait3A_224 = tpu.memref_slice %arg7[%dma_wait3A_222, %dma_wait3A_223] : memref<48x1024xf32, #tpu.memory_space<vmem>> -> memref<16x1024xf32, #tpu.memory_space<vmem>>
      %dma_wait3A_225 = arith.constant 0 : i32
      %dma_wait3A_226 = arith.constant 0 : i32
      %dma_wait3A_227 = tpu.memref_slice %arg4[%dma_wait3A_225, %dma_wait3A_226] : memref<32768x1024xf32, #tpu.memory_space<hbm>> -> memref<16x1024xf32, #tpu.memory_space<hbm>>
      %dma_wait3A_228 = arith.constant 0 : i32
      %dma_wait3A_229 = arith.constant 0 : i32
      %dma_wait3A_230 = tpu.memref_slice %arg4[%dma_wait3A_228, %dma_wait3A_229] : memref<32768x1024xf32, #tpu.memory_space<hbm>> -> memref<16x1024xf32, #tpu.memory_space<hbm>>
      %dma_wait3A_231 = arith.constant 16 : i32
      %dma_wait3A_232 = arith.constant 0 : i32
      %dma_wait3A_233 = tpu.memref_slice %arg7[%dma_wait3A_231, %dma_wait3A_232] : memref<48x1024xf32, #tpu.memory_space<vmem>> -> memref<16x1024xf32, #tpu.memory_space<vmem>>
      tpu.wait_dma2 semaphore(%arg13 : memref<!tpu.dma_semaphore, #tpu.memory_space<semaphore_mem>>) src(%dma_wait3A_233 : memref<16x1024xf32, #tpu.memory_space<vmem>>) dst(%dma_wait3A_230 : memref<16x1024xf32, #tpu.memory_space<hbm>>)
      %scan3A_234 = arith.constant 0 : i32
      %scan3A_235 = arith.constant 0 : i32
      %scan3A_236 = arith.constant 128 : i32
      %scan3A_237 = arith.addi %scan3A_235, %scan3A_236 : i32
      %scan3A_238 = arith.constant 1 : i32
      scf.for %scan3A_258 = %scan3A_235 to %scan3A_237 step %scan3A_238  : i32 {
        %shift_right_logical3A = arith.constant 3 : i32
        %shift_right_logical3A_259 = arith.shrui %scan3A_258, %shift_right_logical3A : i32
        %and3A = arith.constant 7 : i32
        %and3A_260 = arith.andi %scan3A_258, %and3A : i32
        %shift_left3A = arith.constant 7 : i32
        %shift_left3A_261 = arith.shli %and3A_260, %shift_left3A : i32
        %multiple_of3A = tpu.assume_multiple %shift_left3A_261, 128 : i32
        %add3A_262 = arith.constant 0 : i32
        %add3A_263 = arith.addi %multiple_of3A, %add3A_262 : i32
        %get3A = arith.constant 48 : i32
        %get3A_264 = arith.constant 0 : i32
        %get3A_265 = tpu.memref_slice %arg6[%get3A, %get3A_264] : memref<64x1024xf32, #tpu.memory_space<vmem>> -> memref<16x1024xf32, #tpu.memory_space<vmem>>
        %get3A_266 = arith.index_cast %shift_right_logical3A_259 : i32 to index
        %get3A_267 = arith.index_cast %add3A_263 : i32 to index
        %get3A_268 = tpu.vector_load %get3A_265[%get3A_266, %get3A_267] {strides = array<i32>} : memref<16x1024xf32, #tpu.memory_space<vmem>>, vector<1x16xf32>,
        %get3A_269 = vector.shape_cast %get3A_268 : vector<1x16xf32> to vector<16xf32>
        %mul3A_270 = arith.constant 3.200000e+01 : f32
        %mul3A_271 = vector.broadcast %mul3A_270 : f32 to vector<16xf32>
        %mul3A_272 = arith.mulf %get3A_269, %mul3A_271 : vector<16xf32>
        %swap3A = arith.constant 16 : i32
        %swap3A_273 = arith.constant 0 : i32
        %swap3A_274 = tpu.memref_slice %arg7[%swap3A, %swap3A_273] : memref<48x1024xf32, #tpu.memory_space<vmem>> -> memref<16x1024xf32, #tpu.memory_space<vmem>>
        %swap3A_275 = arith.index_cast %shift_right_logical3A_259 : i32 to index
        %swap3A_276 = arith.index_cast %add3A_263 : i32 to index
        %swap3A_277 = tpu.vector_load %swap3A_274[%swap3A_275, %swap3A_276] {strides = array<i32>} : memref<16x1024xf32, #tpu.memory_space<vmem>>, vector<1x16xf32>,
        %swap3A_278 = vector.shape_cast %swap3A_277 : vector<1x16xf32> to vector<16xf32>
        %swap3A_279 = vector.shape_cast %mul3A_272 : vector<16xf32> to vector<1x16xf32>
        tpu.vector_store %swap3A_274[%swap3A_275, %swap3A_276], %swap3A_279 {strides = array<i32>} : memref<16x1024xf32, #tpu.memory_space<vmem>>, vector<1x16xf32>,
        %add3A_280 = arith.constant 16 : i32
        %add3A_281 = arith.addi %multiple_of3A, %add3A_280 : i32
        %get3A_282 = arith.constant 48 : i32
        %get3A_283 = arith.constant 0 : i32
        %get3A_284 = tpu.memref_slice %arg6[%get3A_282, %get3A_283] : memref<64x1024xf32, #tpu.memory_space<vmem>> -> memref<16x1024xf32, #tpu.memory_space<vmem>>
        %get3A_285 = arith.index_cast %shift_right_logical3A_259 : i32 to index
        %get3A_286 = arith.index_cast %add3A_281 : i32 to index
        %get3A_287 = tpu.vector_load %get3A_284[%get3A_285, %get3A_286] {strides = array<i32>} : memref<16x1024xf32, #tpu.memory_space<vmem>>, vector<1x16xf32>,
        %get3A_288 = vector.shape_cast %get3A_287 : vector<1x16xf32> to vector<16xf32>
        %mul3A_289 = arith.constant 3.200000e+01 : f32
        %mul3A_290 = vector.broadcast %mul3A_289 : f32 to vector<16xf32>
        %mul3A_291 = arith.mulf %get3A_288, %mul3A_290 : vector<16xf32>
        %swap3A_292 = arith.constant 16 : i32
        %swap3A_293 = arith.constant 0 : i32
        %swap3A_294 = tpu.memref_slice %arg7[%swap3A_292, %swap3A_293] : memref<48x1024xf32, #tpu.memory_space<vmem>> -> memref<16x1024xf32, #tpu.memory_space<vmem>>
        %swap3A_295 = arith.index_cast %shift_right_logical3A_259 : i32 to index
        %swap3A_296 = arith.index_cast %add3A_281 : i32 to index
        %swap3A_297 = tpu.vector_load %swap3A_294[%swap3A_295, %swap3A_296] {strides = array<i32>} : memref<16x1024xf32, #tpu.memory_space<vmem>>, vector<1x16xf32>,
        %swap3A_298 = vector.shape_cast %swap3A_297 : vector<1x16xf32> to vector<16xf32>
        %swap3A_299 = vector.shape_cast %mul3A_291 : vector<16xf32> to vector<1x16xf32>
        tpu.vector_store %swap3A_294[%swap3A_295, %swap3A_296], %swap3A_299 {strides = array<i32>} : memref<16x1024xf32, #tpu.memory_space<vmem>>, vector<1x16xf32>,
        %add3A_300 = arith.constant 32 : i32
        %add3A_301 = arith.addi %multiple_of3A, %add3A_300 : i32
        %get3A_302 = arith.constant 48 : i32
        %get3A_303 = arith.constant 0 : i32
        %get3A_304 = tpu.memref_slice %arg6[%get3A_302, %get3A_303] : memref<64x1024xf32, #tpu.memory_space<vmem>> -> memref<16x1024xf32, #tpu.memory_space<vmem>>
        %get3A_305 = arith.index_cast %shift_right_logical3A_259 : i32 to index
        %get3A_306 = arith.index_cast %add3A_301 : i32 to index
        %get3A_307 = tpu.vector_load %get3A_304[%get3A_305, %get3A_306] {strides = array<i32>} : memref<16x1024xf32, #tpu.memory_space<vmem>>, vector<1x16xf32>,
        %get3A_308 = vector.shape_cast %get3A_307 : vector<1x16xf32> to vector<16xf32>
        %mul3A_309 = arith.constant 3.200000e+01 : f32
        %mul3A_310 = vector.broadcast %mul3A_309 : f32 to vector<16xf32>
        %mul3A_311 = arith.mulf %get3A_308, %mul3A_310 : vector<16xf32>
        %swap3A_312 = arith.constant 16 : i32
        %swap3A_313 = arith.constant 0 : i32
        %swap3A_314 = tpu.memref_slice %arg7[%swap3A_312, %swap3A_313] : memref<48x1024xf32, #tpu.memory_space<vmem>> -> memref<16x1024xf32, #tpu.memory_space<vmem>>
        %swap3A_315 = arith.index_cast %shift_right_logical3A_259 : i32 to index
        %swap3A_316 = arith.index_cast %add3A_301 : i32 to index
        %swap3A_317 = tpu.vector_load %swap3A_314[%swap3A_315, %swap3A_316] {strides = array<i32>} : memref<16x1024xf32, #tpu.memory_space<vmem>>, vector<1x16xf32>,
        %swap3A_318 = vector.shape_cast %swap3A_317 : vector<1x16xf32> to vector<16xf32>
        %swap3A_319 = vector.shape_cast %mul3A_311 : vector<16xf32> to vector<1x16xf32>
        tpu.vector_store %swap3A_314[%swap3A_315, %swap3A_316], %swap3A_319 {strides = array<i32>} : memref<16x1024xf32, #tpu.memory_space<vmem>>, vector<1x16xf32>,
        %add3A_320 = arith.constant 48 : i32
        %add3A_321 = arith.addi %multiple_of3A, %add3A_320 : i32
        %get3A_322 = arith.constant 48 : i32
        %get3A_323 = arith.constant 0 : i32
        %get3A_324 = tpu.memref_slice %arg6[%get3A_322, %get3A_323] : memref<64x1024xf32, #tpu.memory_space<vmem>> -> memref<16x1024xf32, #tpu.memory_space<vmem>>
        %get3A_325 = arith.index_cast %shift_right_logical3A_259 : i32 to index
        %get3A_326 = arith.index_cast %add3A_321 : i32 to index
        %get3A_327 = tpu.vector_load %get3A_324[%get3A_325, %get3A_326] {strides = array<i32>} : memref<16x1024xf32, #tpu.memory_space<vmem>>, vector<1x16xf32>,
        %get3A_328 = vector.shape_cast %get3A_327 : vector<1x16xf32> to vector<16xf32>
        %mul3A_329 = arith.constant 3.200000e+01 : f32
        %mul3A_330 = vector.broadcast %mul3A_329 : f32 to vector<16xf32>
        %mul3A_331 = arith.mulf %get3A_328, %mul3A_330 : vector<16xf32>
        %swap3A_332 = arith.constant 16 : i32
        %swap3A_333 = arith.constant 0 : i32
        %swap3A_334 = tpu.memref_slice %arg7[%swap3A_332, %swap3A_333] : memref<48x1024xf32, #tpu.memory_space<vmem>> -> memref<16x1024xf32, #tpu.memory_space<vmem>>
        %swap3A_335 = arith.index_cast %shift_right_logical3A_259 : i32 to index
        %swap3A_336 = arith.index_cast %add3A_321 : i32 to index
        %swap3A_337 = tpu.vector_load %swap3A_334[%swap3A_335, %swap3A_336] {strides = array<i32>} : memref<16x1024xf32, #tpu.memory_space<vmem>>, vector<1x16xf32>,
        %swap3A_338 = vector.shape_cast %swap3A_337 : vector<1x16xf32> to vector<16xf32>
        %swap3A_339 = vector.shape_cast %mul3A_331 : vector<16xf32> to vector<1x16xf32>
        tpu.vector_store %swap3A_334[%swap3A_335, %swap3A_336], %swap3A_339 {strides = array<i32>} : memref<16x1024xf32, #tpu.memory_space<vmem>>, vector<1x16xf32>,
        %add3A_340 = arith.constant 64 : i32
        %add3A_341 = arith.addi %multiple_of3A, %add3A_340 : i32
        %get3A_342 = arith.constant 48 : i32
        %get3A_343 = arith.constant 0 : i32
        %get3A_344 = tpu.memref_slice %arg6[%get3A_342, %get3A_343] : memref<64x1024xf32, #tpu.memory_space<vmem>> -> memref<16x1024xf32, #tpu.memory_space<vmem>>
        %get3A_345 = arith.index_cast %shift_right_logical3A_259 : i32 to index
        %get3A_346 = arith.index_cast %add3A_341 : i32 to index
        %get3A_347 = tpu.vector_load %get3A_344[%get3A_345, %get3A_346] {strides = array<i32>} : memref<16x1024xf32, #tpu.memory_space<vmem>>, vector<1x16xf32>,
        %get3A_348 = vector.shape_cast %get3A_347 : vector<1x16xf32> to vector<16xf32>
        %mul3A_349 = arith.constant 3.200000e+01 : f32
        %mul3A_350 = vector.broadcast %mul3A_349 : f32 to vector<16xf32>
        %mul3A_351 = arith.mulf %get3A_348, %mul3A_350 : vector<16xf32>
        %swap3A_352 = arith.constant 16 : i32
        %swap3A_353 = arith.constant 0 : i32
        %swap3A_354 = tpu.memref_slice %arg7[%swap3A_352, %swap3A_353] : memref<48x1024xf32, #tpu.memory_space<vmem>> -> memref<16x1024xf32, #tpu.memory_space<vmem>>
        %swap3A_355 = arith.index_cast %shift_right_logical3A_259 : i32 to index
        %swap3A_356 = arith.index_cast %add3A_341 : i32 to index
        %swap3A_357 = tpu.vector_load %swap3A_354[%swap3A_355, %swap3A_356] {strides = array<i32>} : memref<16x1024xf32, #tpu.memory_space<vmem>>, vector<1x16xf32>,
        %swap3A_358 = vector.shape_cast %swap3A_357 : vector<1x16xf32> to vector<16xf32>
        %swap3A_359 = vector.shape_cast %mul3A_351 : vector<16xf32> to vector<1x16xf32>
        tpu.vector_store %swap3A_354[%swap3A_355, %swap3A_356], %swap3A_359 {strides = array<i32>} : memref<16x1024xf32, #tpu.memory_space<vmem>>, vector<1x16xf32>,
        %add3A_360 = arith.constant 80 : i32
        %add3A_361 = arith.addi %multiple_of3A, %add3A_360 : i32
        %get3A_362 = arith.constant 48 : i32
        %get3A_363 = arith.constant 0 : i32
        %get3A_364 = tpu.memref_slice %arg6[%get3A_362, %get3A_363] : memref<64x1024xf32, #tpu.memory_space<vmem>> -> memref<16x1024xf32, #tpu.memory_space<vmem>>
        %get3A_365 = arith.index_cast %shift_right_logical3A_259 : i32 to index
        %get3A_366 = arith.index_cast %add3A_361 : i32 to index
        %get3A_367 = tpu.vector_load %get3A_364[%get3A_365, %get3A_366] {strides = array<i32>} : memref<16x1024xf32, #tpu.memory_space<vmem>>, vector<1x16xf32>,
        %get3A_368 = vector.shape_cast %get3A_367 : vector<1x16xf32> to vector<16xf32>
        %mul3A_369 = arith.constant 3.200000e+01 : f32
        %mul3A_370 = vector.broadcast %mul3A_369 : f32 to vector<16xf32>
        %mul3A_371 = arith.mulf %get3A_368, %mul3A_370 : vector<16xf32>
        %swap3A_372 = arith.constant 16 : i32
        %swap3A_373 = arith.constant 0 : i32
        %swap3A_374 = tpu.memref_slice %arg7[%swap3A_372, %swap3A_373] : memref<48x1024xf32, #tpu.memory_space<vmem>> -> memref<16x1024xf32, #tpu.memory_space<vmem>>
        %swap3A_375 = arith.index_cast %shift_right_logical3A_259 : i32 to index
        %swap3A_376 = arith.index_cast %add3A_361 : i32 to index
        %swap3A_377 = tpu.vector_load %swap3A_374[%swap3A_375, %swap3A_376] {strides = array<i32>} : memref<16x1024xf32, #tpu.memory_space<vmem>>, vector<1x16xf32>,
        %swap3A_378 = vector.shape_cast %swap3A_377 : vector<1x16xf32> to vector<16xf32>
        %swap3A_379 = vector.shape_cast %mul3A_371 : vector<16xf32> to vector<1x16xf32>
        tpu.vector_store %swap3A_374[%swap3A_375, %swap3A_376], %swap3A_379 {strides = array<i32>} : memref<16x1024xf32, #tpu.memory_space<vmem>>, vector<1x16xf32>,
        %add3A_380 = arith.constant 96 : i32
        %add3A_381 = arith.addi %multiple_of3A, %add3A_380 : i32
        %get3A_382 = arith.constant 48 : i32
        %get3A_383 = arith.constant 0 : i32
        %get3A_384 = tpu.memref_slice %arg6[%get3A_382, %get3A_383] : memref<64x1024xf32, #tpu.memory_space<vmem>> -> memref<16x1024xf32, #tpu.memory_space<vmem>>
        %get3A_385 = arith.index_cast %shift_right_logical3A_259 : i32 to index
        %get3A_386 = arith.index_cast %add3A_381 : i32 to index
        %get3A_387 = tpu.vector_load %get3A_384[%get3A_385, %get3A_386] {strides = array<i32>} : memref<16x1024xf32, #tpu.memory_space<vmem>>, vector<1x16xf32>,
        %get3A_388 = vector.shape_cast %get3A_387 : vector<1x16xf32> to vector<16xf32>
        %mul3A_389 = arith.constant 3.200000e+01 : f32
        %mul3A_390 = vector.broadcast %mul3A_389 : f32 to vector<16xf32>
        %mul3A_391 = arith.mulf %get3A_388, %mul3A_390 : vector<16xf32>
        %swap3A_392 = arith.constant 16 : i32
        %swap3A_393 = arith.constant 0 : i32
        %swap3A_394 = tpu.memref_slice %arg7[%swap3A_392, %swap3A_393] : memref<48x1024xf32, #tpu.memory_space<vmem>> -> memref<16x1024xf32, #tpu.memory_space<vmem>>
        %swap3A_395 = arith.index_cast %shift_right_logical3A_259 : i32 to index
        %swap3A_396 = arith.index_cast %add3A_381 : i32 to index
        %swap3A_397 = tpu.vector_load %swap3A_394[%swap3A_395, %swap3A_396] {strides = array<i32>} : memref<16x1024xf32, #tpu.memory_space<vmem>>, vector<1x16xf32>,
        %swap3A_398 = vector.shape_cast %swap3A_397 : vector<1x16xf32> to vector<16xf32>
        %swap3A_399 = vector.shape_cast %mul3A_391 : vector<16xf32> to vector<1x16xf32>
        tpu.vector_store %swap3A_394[%swap3A_395, %swap3A_396], %swap3A_399 {strides = array<i32>} : memref<16x1024xf32, #tpu.memory_space<vmem>>, vector<1x16xf32>,
        %add3A_400 = arith.constant 112 : i32
        %add3A_401 = arith.addi %multiple_of3A, %add3A_400 : i32
        %get3A_402 = arith.constant 48 : i32
        %get3A_403 = arith.constant 0 : i32
        %get3A_404 = tpu.memref_slice %arg6[%get3A_402, %get3A_403] : memref<64x1024xf32, #tpu.memory_space<vmem>> -> memref<16x1024xf32, #tpu.memory_space<vmem>>
        %get3A_405 = arith.index_cast %shift_right_logical3A_259 : i32 to index
        %get3A_406 = arith.index_cast %add3A_401 : i32 to index
        %get3A_407 = tpu.vector_load %get3A_404[%get3A_405, %get3A_406] {strides = array<i32>} : memref<16x1024xf32, #tpu.memory_space<vmem>>, vector<1x16xf32>,
        %get3A_408 = vector.shape_cast %get3A_407 : vector<1x16xf32> to vector<16xf32>
        %mul3A_409 = arith.constant 3.200000e+01 : f32
        %mul3A_410 = vector.broadcast %mul3A_409 : f32 to vector<16xf32>
        %mul3A_411 = arith.mulf %get3A_408, %mul3A_410 : vector<16xf32>
        %swap3A_412 = arith.constant 16 : i32
        %swap3A_413 = arith.constant 0 : i32
        %swap3A_414 = tpu.memref_slice %arg7[%swap3A_412, %swap3A_413] : memref<48x1024xf32, #tpu.memory_space<vmem>> -> memref<16x1024xf32, #tpu.memory_space<vmem>>
        %swap3A_415 = arith.index_cast %shift_right_logical3A_259 : i32 to index
        %swap3A_416 = arith.index_cast %add3A_401 : i32 to index
        %swap3A_417 = tpu.vector_load %swap3A_414[%swap3A_415, %swap3A_416] {strides = array<i32>} : memref<16x1024xf32, #tpu.memory_space<vmem>>, vector<1x16xf32>,
        %swap3A_418 = vector.shape_cast %swap3A_417 : vector<1x16xf32> to vector<16xf32>
        %swap3A_419 = vector.shape_cast %mul3A_411 : vector<16xf32> to vector<1x16xf32>
        tpu.vector_store %swap3A_414[%swap3A_415, %swap3A_416], %swap3A_419 {strides = array<i32>} : memref<16x1024xf32, #tpu.memory_space<vmem>>, vector<1x16xf32>,
      }
      %scan3A_239 = arith.constant 128 : i32
      %lt3A_240 = arith.constant 15 : i32
      %lt3A_241 = arith.cmpi slt, %scan3A_74, %lt3A_240 : i32
      %convert_element_type3A_242 = arith.extui %lt3A_241 : i1 to i32
      %cond3A_243 = arith.constant 0 : i32
      %cond3A_244 = arith.cmpi ne, %convert_element_type3A_242, %cond3A_243 : i32
      scf.if %cond3A_244 {
        %add3A_258 = arith.constant 4 : i32
        %add3A_259 = arith.addi %add3A_209, %add3A_258 : i32
        %mul3A_260 = arith.constant 16 : i32
        %mul3A_261 = arith.muli %add3A_259, %mul3A_260 : i32
        %dma_start3A_262 = arith.constant 48 : i32
        %dma_start3A_263 = arith.constant 0 : i32
        %dma_start3A_264 = tpu.memref_slice %arg6[%dma_start3A_262, %dma_start3A_263] : memref<64x1024xf32, #tpu.memory_space<vmem>> -> memref<16x1024xf32, #tpu.memory_space<vmem>>
        %dma_start3A_265 = tpu.memref_slice %arg5[%mul3A_261] : memref<1024xi32, #tpu.memory_space<vmem>> -> memref<16xi32, #tpu.memory_space<vmem>>
        %dma_start3A_266 = arith.constant 0 : i32
        %dma_start3A_267 = arith.constant 0 : i32
        %dma_start3A_268 = tpu.memref_slice %arg2[%dma_start3A_266, %dma_start3A_267] : memref<100000x1024xf32, #tpu.memory_space<hbm>> -> memref<100000x1024xf32, #tpu.memory_space<hbm>>
        tpu.enqueue_indirect_dma source(%dma_start3A_268 : memref<100000x1024xf32, #tpu.memory_space<hbm>>) target(%dma_start3A_264 : memref<16x1024xf32, #tpu.memory_space<vmem>>) offsets(%dma_start3A_265 : memref<16xi32, #tpu.memory_space<vmem>>) semaphore(%arg11 : memref<!tpu.dma_semaphore, #tpu.memory_space<semaphore_mem>>)
      } else {
      }
      %mul3A_245 = arith.constant 16 : i32
      %mul3A_246 = arith.muli %add3A_209, %mul3A_245 : i32
      %add3A_247 = arith.addi %mul3A_2, %mul3A_246 : i32
      %dma_start3A_248 = arith.constant 16 : i32
      %dma_start3A_249 = arith.constant 0 : i32
      %dma_start3A_250 = tpu.memref_slice %arg7[%dma_start3A_248, %dma_start3A_249] : memref<48x1024xf32, #tpu.memory_space<vmem>> -> memref<16x1024xf32, #tpu.memory_space<vmem>>
      %dma_start3A_251 = arith.constant 0 : i32
      %dma_start3A_252 = tpu.memref_slice %arg4[%add3A_247, %dma_start3A_251] : memref<32768x1024xf32, #tpu.memory_space<hbm>> -> memref<16x1024xf32, #tpu.memory_space<hbm>>
      %dma_start3A_253 = arith.constant 0 : i32
      %dma_start3A_254 = tpu.memref_slice %arg4[%add3A_247, %dma_start3A_253] : memref<32768x1024xf32, #tpu.memory_space<hbm>> -> memref<16x1024xf32, #tpu.memory_space<hbm>>
      %dma_start3A_255 = arith.constant 16 : i32
      %dma_start3A_256 = arith.constant 0 : i32
      %dma_start3A_257 = tpu.memref_slice %arg7[%dma_start3A_255, %dma_start3A_256] : memref<48x1024xf32, #tpu.memory_space<vmem>> -> memref<16x1024xf32, #tpu.memory_space<vmem>>
      tpu.enqueue_dma source(%dma_start3A_257 : memref<16x1024xf32, #tpu.memory_space<vmem>>) target(%dma_start3A_254 : memref<16x1024xf32, #tpu.memory_space<hbm>>) target_semaphore(%arg13 : memref<!tpu.dma_semaphore, #tpu.memory_space<semaphore_mem>>)
    }
    %scan3A_38 = arith.constant 16 : i32
    %dma_wait3A = arith.constant 0 : i32
    %dma_wait3A_39 = arith.constant 0 : i32
    %dma_wait3A_40 = tpu.memref_slice %arg7[%dma_wait3A, %dma_wait3A_39] : memref<48x1024xf32, #tpu.memory_space<vmem>> -> memref<16x1024xf32, #tpu.memory_space<vmem>>
    %dma_wait3A_41 = arith.constant 0 : i32
    %dma_wait3A_42 = arith.constant 0 : i32
    %dma_wait3A_43 = tpu.memref_slice %arg4[%dma_wait3A_41, %dma_wait3A_42] : memref<32768x1024xf32, #tpu.memory_space<hbm>> -> memref<16x1024xf32, #tpu.memory_space<hbm>>
    %dma_wait3A_44 = arith.constant 0 : i32
    %dma_wait3A_45 = arith.constant 0 : i32
    %dma_wait3A_46 = tpu.memref_slice %arg4[%dma_wait3A_44, %dma_wait3A_45] : memref<32768x1024xf32, #tpu.memory_space<hbm>> -> memref<16x1024xf32, #tpu.memory_space<hbm>>
    %dma_wait3A_47 = arith.constant 0 : i32
    %dma_wait3A_48 = arith.constant 0 : i32
    %dma_wait3A_49 = tpu.memref_slice %arg7[%dma_wait3A_47, %dma_wait3A_48] : memref<48x1024xf32, #tpu.memory_space<vmem>> -> memref<16x1024xf32, #tpu.memory_space<vmem>>
    tpu.wait_dma2 semaphore(%arg12 : memref<!tpu.dma_semaphore, #tpu.memory_space<semaphore_mem>>) src(%dma_wait3A_49 : memref<16x1024xf32, #tpu.memory_space<vmem>>) dst(%dma_wait3A_46 : memref<16x1024xf32, #tpu.memory_space<hbm>>)
    %dma_wait3A_50 = arith.constant 16 : i32
    %dma_wait3A_51 = arith.constant 0 : i32
    %dma_wait3A_52 = tpu.memref_slice %arg7[%dma_wait3A_50, %dma_wait3A_51] : memref<48x1024xf32, #tpu.memory_space<vmem>> -> memref<16x1024xf32, #tpu.memory_space<vmem>>
    %dma_wait3A_53 = arith.constant 0 : i32
    %dma_wait3A_54 = arith.constant 0 : i32
    %dma_wait3A_55 = tpu.memref_slice %arg4[%dma_wait3A_53, %dma_wait3A_54] : memref<32768x1024xf32, #tpu.memory_space<hbm>> -> memref<16x1024xf32, #tpu.memory_space<hbm>>
    %dma_wait3A_56 = arith.constant 0 : i32
    %dma_wait3A_57 = arith.constant 0 : i32
    %dma_wait3A_58 = tpu.memref_slice %arg4[%dma_wait3A_56, %dma_wait3A_57] : memref<32768x1024xf32, #tpu.memory_space<hbm>> -> memref<16x1024xf32, #tpu.memory_space<hbm>>
    %dma_wait3A_59 = arith.constant 16 : i32
    %dma_wait3A_60 = arith.constant 0 : i32
    %dma_wait3A_61 = tpu.memref_slice %arg7[%dma_wait3A_59, %dma_wait3A_60] : memref<48x1024xf32, #tpu.memory_space<vmem>> -> memref<16x1024xf32, #tpu.memory_space<vmem>>
    tpu.wait_dma2 semaphore(%arg13 : memref<!tpu.dma_semaphore, #tpu.memory_space<semaphore_mem>>) src(%dma_wait3A_61 : memref<16x1024xf32, #tpu.memory_space<vmem>>) dst(%dma_wait3A_58 : memref<16x1024xf32, #tpu.memory_space<hbm>>)
    %dma_wait3A_62 = arith.constant 32 : i32
    %dma_wait3A_63 = arith.constant 0 : i32
    %dma_wait3A_64 = tpu.memref_slice %arg7[%dma_wait3A_62, %dma_wait3A_63] : memref<48x1024xf32, #tpu.memory_space<vmem>> -> memref<16x1024xf32, #tpu.memory_space<vmem>>
    %dma_wait3A_65 = arith.constant 0 : i32
    %dma_wait3A_66 = arith.constant 0 : i32
    %dma_wait3A_67 = tpu.memref_slice %arg4[%dma_wait3A_65, %dma_wait3A_66] : memref<32768x1024xf32, #tpu.memory_space<hbm>> -> memref<16x1024xf32, #tpu.memory_space<hbm>>
    %dma_wait3A_68 = arith.constant 0 : i32
    %dma_wait3A_69 = arith.constant 0 : i32
    %dma_wait3A_70 = tpu.memref_slice %arg4[%dma_wait3A_68, %dma_wait3A_69] : memref<32768x1024xf32, #tpu.memory_space<hbm>> -> memref<16x1024xf32, #tpu.memory_space<hbm>>
    %dma_wait3A_71 = arith.constant 32 : i32
    %dma_wait3A_72 = arith.constant 0 : i32
    %dma_wait3A_73 = tpu.memref_slice %arg7[%dma_wait3A_71, %dma_wait3A_72] : memref<48x1024xf32, #tpu.memory_space<vmem>> -> memref<16x1024xf32, #tpu.memory_space<vmem>>
    tpu.wait_dma2 semaphore(%arg14 : memref<!tpu.dma_semaphore, #tpu.memory_space<semaphore_mem>>) src(%dma_wait3A_73 : memref<16x1024xf32, #tpu.memory_space<vmem>>) dst(%dma_wait3A_70 : memref<16x1024xf32, #tpu.memory_space<hbm>>)
    return
  }
}

</mosaic_0001>

<sc_bundles>
// kernel: kernel.3.cloned.1.call-start
scs
__scs_entry_jumppad:
0x0: {  	(pc) =	sbr.rel $0x88, $3  }
0x1: {  	(tag) =	ssettag $0x0;
	lr =	simm.s32 $0x1  }
0x2: {  	[smem:$0x3F9F] =	sst lr;
	_ =	strace $0xD0000000  }
0x3: {  	_ = 	snop  }
0x4: {  	_ = 	snop  }
0x5: {  	_ = 	snop  }
0x6: {  	_ = 	snop  }
0x7: {  	_ = 	snop  }
__scs_overlays_trampoline_lowered:
0x8: {  	[smem:$0x3FAE] =	sst s0  }
0x9: {  	[smem:$0x3FAF] =	sst s1  }
0xa: {  	[smem:$0x3FB0] =	sst s2  }
0xb: {  	[smem:$0x3FB1] =	sst s3  }
0xc: {  	[smem:$0x3FB2] =	sst s4  }
0xd: {  	[smem:$0x3FB3] =	sst s5  }
0xe: {  	[smem:$0x3FB4] =	sst s6  }
0xf: {  	[smem:$0x3FB5] =	sst s7  }
0x10: {  	[smem:$0x3FB6] =	sst s8  }
0x11: {  	[smem:$0x3FB7] =	sst s9;
	s0 =	simm.s32 @!p0 $0x0  }
0x12: {  	s1 =	sld [smem:$0x3F9D];
	s0 =	simm.s32 @p0 $0x1  }
0x13: {  	[smem:$0x3FB8] =	sst s0;
	s0 =	simm.s32 @!p1 $0x0  }
0x14: {  	s2 =	sld [smem:$0x3F9C];
	s0 =	simm.s32 @p1 $0x1  }
0x15: {  	[smem:$0x3FB9] =	sst s0;
	s0 =	simm.s32 @!p2 $0x0  }
0x16: {  	s3 =	sld [smem:$0x3FDB];
	s0 =	simm.s32 @p2 $0x1  }
0x17: {  	s4 =	simm.s32 $0x1BF5;
	[smem:$0x3FBB] =	sst s0  }
0x18: {  	s0 =	sld [smem:$0x3F9E];
	_ =	swait.ge [sflag:s4], $0x0  }
0x19: {  	s7 =	sld [smem:$0x3F9F]  }
0x1a: {  	s8 =	sadd.s32 $0xFFFFE003, lr  }
0x1b: {  	s9 =	sadd.s32 $0xFFFFFEF7, lr;
	s5 =	simm.s32 $0xFFFFFFFF;
	p2 =	slt.u32 s8, $0xFFFFF086  }
0x1c: {  	p1 =	slt.u32 s9, $0xF7A;
	s5 =	simm.s32 @!p2 $0x0  }
0x1d: {  	s5 =	simm.s32 @p1 $0x1;
	p0 =	seq.s32 s7, s2  }
0x1e: {  	s7 =	smul.u32 @!p0 $0xF7A, s2;
	p2 =	seq.s32 @!p0 s5, $0x0  }
0x1f: {  	s9 =	smul.u32 $0xF7A, s1;
	s8 =	simm.s32 @!p0 $0x1BF5;
	p2 =	por !p2, p0  }
0x20: {  	[sflag:s8] =	ssyncset.s32 @!p0 $0xFFFFF086;
	s6 =	sadd.s32 @!p0 s3, s7;
	s7 =	simm.s32 @!p0 $0x108  }
0x21: {  	s3 =	sadd.s32 s3, s9;
	s6 =	sadd.s32 @!p0 $0x88, s6;
	s7 =	simm.s32 @p2 $0x1082  }
0x22: {  	[simem:s7], [sflag:s8] =	dma.local @!p0 [hbm:s6], $0xF7A  }
0x23: {  	s9 =	sor.u32 $0xD0000000, s2;
	s6 =	simm.s32 $0x108;
	_ =	swait.ge @!p0 [sflag:s8], $0x0  }
0x24: {  	s3 =	sadd.s32 $0x88, s3;
	s6 =	simm.s32 @!p1 $0x1082;
	[sflag:s4] =	ssyncset.s32 $0xFFFFF086  }
0x25: {  	[simem:s6], [sflag:s4] =	dma.local [hbm:s3], $0xF7A  }
0x26: {  	[smem:$0x3F9F] =	sst s1;
	(tag) =	ssettag s2;
	_ =	strace s9  }
0x27: {  	s1 =	sld [smem:$0x3FAF]  }
0x28: {  	s2 =	sld [smem:$0x3FB0]  }
0x29: {  	s4 =	sld [smem:$0x3FB2]  }
0x2a: {  	p0 =	seq.s32 s5, $0x0;
	s5 =	sld [smem:$0x3FB3]  }
0x2b: {  	s6 =	sld [smem:$0x3FB4]  }
0x2c: {  	s7 =	sld [smem:$0x3FB5]  }
0x2d: {  	s3 =	simm.s32 $0x108;
	s8 =	sld [smem:$0x3FB6]  }
0x2e: {  	s3 =	simm.s32 @!p0 $0x1082;
	s9 =	sld [smem:$0x3FB7]  }
0x2f: {  	lr =	sadd.s32 s0, s3;
	s0 =	sld [smem:$0x3FAE]  }
0x30: {  	s3 =	sld [smem:$0x3FB1]  }
0x31: {  	[smem:$0x3FBA] =	sst s10  }
0x32: {  	s10 =	sld [smem:$0x3FB8];
	_ =	sdelay $0x3  }
0x33: {  	p0 =	seq.s32 s10, $0x1;
	s10 =	sld [smem:$0x3FBA];
	_ =	sdelay $0x3  }
0x34: {  	[smem:$0x3FBA] =	sst s10  }
0x35: {  	s10 =	sld [smem:$0x3FB9];
	_ =	sdelay $0x3  }
0x36: {  	p1 =	seq.s32 s10, $0x1;
	s10 =	sld [smem:$0x3FBA];
	_ =	sdelay $0x3  }
0x37: {  	[smem:$0x3FBA] =	sst s10  }
0x38: {  	s10 =	sld [smem:$0x3FBB]  }
0x39: {  	_ = 	snop;
	(pc) =	sbr.ind lr, $3  }
0x3a: {  	_ = 	snop  }
0x3b: {  	_ = 	snop  }
0x3c: {  	p2 =	seq.s32 s10, $0x1;
	s10 =	sld [smem:$0x3FBA]  }
0x3d: {  	_ =	shalt  }
0x3e: {  	_ =	shalt  }
0x3f: {  	_ =	shalt  }
0x40: {  	_ =	shalt  }
0x41: {  	_ =	shalt  }
0x42: {  	_ =	shalt  }
0x43: {  	_ =	shalt  }
0x44: {  	_ =	shalt  }
0x45: {  	_ =	shalt  }
0x46: {  	_ =	shalt  }
0x47: {  	_ =	shalt  }
0x48: {  	_ =	shalt  }
0x49: {  	_ =	shalt  }
0x4a: {  	_ =	shalt  }
0x4b: {  	_ =	shalt  }
0x4c: {  	_ =	shalt  }
0x4d: {  	_ =	shalt  }
0x4e: {  	_ =	shalt  }
0x4f: {  	_ =	shalt  }
0x50: {  	_ =	shalt  }
0x51: {  	_ =	shalt  }
0x52: {  	_ =	shalt  }
0x53: {  	_ =	shalt  }
0x54: {  	_ =	shalt  }
0x55: {  	_ =	shalt  }
0x56: {  	_ =	shalt  }
0x57: {  	_ =	shalt  }
0x58: {  	_ =	shalt  }
0x59: {  	_ =	shalt  }
0x5a: {  	_ =	shalt  }
0x5b: {  	_ =	shalt  }
0x5c: {  	_ =	shalt  }
0x5d: {  	_ =	shalt  }
0x5e: {  	_ =	shalt  }
0x5f: {  	_ =	shalt  }
0x60: {  	_ =	shalt  }
0x61: {  	_ =	shalt  }
0x62: {  	_ =	shalt  }
0x63: {  	_ =	shalt  }
0x64: {  	_ =	shalt  }
0x65: {  	_ =	shalt  }
0x66: {  	_ =	shalt  }
0x67: {  	_ =	shalt  }
0x68: {  	_ =	shalt  }
0x69: {  	_ =	shalt  }
0x6a: {  	_ =	shalt  }
0x6b: {  	_ =	shalt  }
0x6c: {  	_ =	shalt  }
0x6d: {  	_ =	shalt  }
0x6e: {  	_ =	shalt  }
0x6f: {  	_ =	shalt  }
0x70: {  	_ =	shalt  }
0x71: {  	_ =	shalt  }
0x72: {  	_ =	shalt  }
0x73: {  	_ =	shalt  }
0x74: {  	_ =	shalt  }
0x75: {  	_ =	shalt  }
0x76: {  	_ =	shalt  }
0x77: {  	_ =	shalt  }
0x78: {  	_ =	shalt  }
0x79: {  	_ =	shalt  }
0x7a: {  	_ =	shalt  }
0x7b: {  	_ =	shalt  }
0x7c: {  	_ =	shalt  }
0x7d: {  	_ =	shalt  }
0x7e: {  	_ =	shalt  }
0x7f: {  	_ =	shalt  }
0x80: {  	_ =	shalt  }
0x81: {  	_ =	shalt  }
0x82: {  	_ =	shalt  }
0x83: {  	_ =	shalt  }
0x84: {  	_ =	shalt  }
0x85: {  	_ =	shalt  }
0x86: {  	_ =	shalt  }
0x87: {  	_ =	shalt  }
.Lfunc_end0:
.L_simem_size_0:
called_computation_lowered:
.L_overlay_start_0:
0x88: {  	s2 =	sld [smem:$0x3FD9]  }
0x89: {  	s3 =	sld [smem:$0x3FFE];
	_ =	sdelay $0x1  }
0x8a: {  	s1 =	srdreg.scid  }
0x8b: {  	s0 =	sand.u32 $0x1, s1  }
0x8c: {  	s17 =	sshll.u32 s0, $0xA;
	s2 =	sadd.s32 s3, s2  }
0x8d: {  	s2 =	sadd.s32 s2, s17  }
0x8e: {  	[smem:$0x3FC6] =	sst s2  }
0x8f: {  	_ = 	snop  }
0x90: {  	s2 =	sld [smem:$0x3FC8]  }
0x91: {  	s18 =	sld [smem:$0x3FD0];
	(tm) =	ssettm $0x1  }
0x92: {  	s4 =	sld [smem:$0x3FFB];
	_ =	sdelay $0x3  }
0x93: {  	_ =	strace s4  }
0x94: {  	s4 =	sld [smem:$0x3FFC];
	_ =	sdelay $0x3  }
0x95: {  	_ =	strace s4  }
0x96: {  	s4 =	sld [smem:$0x3FFD];
	_ =	sdelay $0x3  }
0x97: {  	_ =	strace s4  }
0x98: {  	_ =	strace $0x8FFFFFFF  }
0x99: {  	s19 =	sld [smem:$0x3FDB];
	_ =	sdelay $0x1  }
0x9a: {  	s5 =	simm.s32 $_scs_section_size  }
0x9b: {  	s6 =	simm.s32 $_size__tile_overlayer_lowered;
	s7 =	simm.s32 $_tile_overlayer_lowered  }
0x9c: {  	s22 =	simm.s32 $0x1BFF;
	s21 =	sshll.u32 s7, $0x1;
	s4 =	sadd.s32 s5, s19  }
0x9d: {  	s8 =	simm.s32 $0x0;
	s20 =	sshll.u32 s6, $0x1;
	s6 =	sadd.s32 s21, s4  }
0x9e: {  	[timem:s8], [sflag:s22] =	dma.local [hbm:s6], s20  }
0x9f: {  	_ =	swait.ge [sflag:s22], s20  }
0xa0: {  	s5 =	ssub.s32 $0x0, s20;
	[sflag:s22] =	ssyncset.done $0x0  }
0xa1: {  	[sflag:s22] =	ssyncadd.s32 s5;
	_ =	sdelay $0x1  }
0xa2: {  	s23 =	simm.s32 $0x1B8B  }
0xa3: {  	_ =	swait.ge [sflag:s23], $0x1  }
0xa4: {  	[sflag:s23] =	ssyncset.done $0x0  }
0xa5: {  	s25 =	simm.s32 $0x1B8E;
	s24 =	sld [smem:$0x3FFE];
	[sflag:s23] =	ssyncadd.s32 $0xFFFFFFFF  }
0xa6: {  	s26 =	simm.s32 $execute0_lowered;
	[smem:$0x3FD2] =	sst s25  }
0xa7: {  	s6 =	sshll.u32 s26, $0x1;
	_ =	strace $0x80000046;
	[dreg:$0x1] =	wrdreg $0xFFFFFFFF  }
0xa8: {  	s28 =	simm.s32 $_size_execute0_lowered;
	s4 =	sadd.s32 s4, s6;
	[dreg:$0x0] =	wrdreg $0x0  }
0xa9: {  	s6 =	sshll.u32 s28, $0x1;
	[dreg:$0x2] =	wrdreg s4  }
0xaa: {  	[dreg:$0x3] =	wrdreg s6  }
0xab: {  	[dreg:$0x4] =	wrdreg $0xC0  }
0xac: {  	_ =	task [dreg:s8], $0x5FFFF  }
0xad: {  	[dreg:$0x1] =	wrdreg $0xFFFFFFFF  }
0xae: {  	[dreg:$0x0] =	wrdreg $0x60  }
0xaf: {  	[dreg:$0x2] =	wrdreg s2  }
0xb0: {  	[dreg:$0x3] =	wrdreg s24  }
0xb1: {  	[dreg:$0x4] =	wrdreg s18  }
0xb2: {  	[dreg:$0x5] =	wrdreg $0x9  }
0xb3: {  	_ =	task.clear_ibuf [dreg:s8], $0x6FFFF;
	_ =	strace $0x90000046  }
0xb4: {  	s29 =	simm.s32 $0x9;
	_ =	strace $0x80000048  }
0xb5: {  	_ =	swait.ge [sflag:s29], $0x1  }
0xb6: {  	[sflag:s29] =	ssyncadd.s32 $0xFFFFFFFF  }
0xb7: {  	_ =	strace $0x90000048  }
0xb8: {  	_ =	sfence  }
0xb9: {  	s30 =	sld [smem:$0x0];
	_ =	sdelay $0x2  }
0xba: {  	s31 =	sshll.u32 s1, $0xD;
	s1 =	sshrl.u32 s1, $0x2  }
0xbb: {  	s3 =	sand.u32 $0x4000, s31;
	s1 =	sadd.s32 s1, s30  }
0xbc: {  	s0 =	sor.u32 s3, s0;
	s1 =	sshll.u32 s1, $0x11  }
0xbd: {  	s0 =	sor.u32 s1, s0  }
0xbe: {  	s0 =	sadd.s32 $0x8F2B, s0  }
0xbf: {  	[sflag:s0] =	ssyncadd.remote.s32 $0x1  }
0xc0: {  	_ =	sfence.sel $0xFFFF  }
0xc1: {  	[dreg:$0x0] =	wrdreg $0xFFFFFFFF;
	(pc) =	sbr.abs _section_cstart, $3  }
0xc2: {  	[dreg:$0x1] =	wrdreg $0xFFFFFFFF  }
0xc3: {  	_ =	task.clear_ibuf [dreg:s8], $0x2FFFF;
	_ =	strace $0x9FFFFFFF  }
0xc4: {  	(tm) =	ssettm $0x7FFFFFFF  }
0xc5: {  	_ =	shalt  }
tec
execute0_lowered:
.L_overlay_start_1:
0x0: {  	(tag) =	ssettag $0x1  }
0x1: {  	s2 =	rddreg [dreg:$0x0]  }
0x2: {  	s0 =	rddreg [dreg:$0x1];
	s1 =	srdreg.scid  }
0x3: {  	s3 =	rddreg [dreg:$0x2];
	s4 =	stileid.u32  }
0x4: {  	s12 =	simm.s32 $0x8;
	s28 =	simm.s32 $0x2;
	s29 =	simm.s32 $0x14400  }
0x5: {  	s30 =	simm.s32 $0x3;
	s31 =	simm.s32 $0x18400;
	s13 =	simm.s32 $0x5  }
0x6: {  	s14 =	simm.s32 $0x7;
	s15 =	simm.s32 $0x0;
	s1 =	sand.u32 $0x1, s1  }
0x7: {  	s5 =	sshll.u32 s4, $0xB;
	s4 =	simm.s32 $0x0;
	s8 =	sadd.s32 $0x200, s2  }
0x8: {  	s9 =	sadd.s32 $0x300, s2;
	s6 =	sshll.u32 s1, $0xA;
	s1 =	ssub.s32 $0x2, s1  }
0x9: {  	[smem:$0x7FF] =	sst s4;
	s5 =	sor.u32 s6, s5;
	s7 =	sshrl.u32 s1, $0x1  }
0xa: {  	_ =	strace $0x80000047;
	s6 =	sshrl.u32 s5, $0x3;
	s1 =	ssub.s32 s1, s7  }
0xb: {  	s7 =	sadd.s32 $0x100, s2;
	s25 =	sshll.u32 s5, $0x7;
	s0 =	sadd.s32 s6, s0  }
0xc: {  	v2 =	vlaneseq.u32;
	s10 =	sadd.s32 s3, s25;
	s26 =	smax.u32 s1, $0x1;
	s25 =	simm.s32 $0x1  }
0xd: {  	vm0 =	vmmov $0xffff;
	v1 =	vshrl.u32 v2, $0x3;
	s1 =	simm.s32 $0x6;
	s0 =	sadd.s32 $0x400, s0;
	[dreg:$0x5] =	wrdreg s26  }
0xe: {  	v0 =	vand.u32 $0x7, v2;
	v2 =	vor.u32 $0x8, v2;
	v1 =	vmul.u32 $0x8, v1;
	s26 =	simm.s32 $0x10400;
	[dreg:$0x4] =	wrdreg s0;
	s0 =	simm.s32 $0x4  }
.LBB2_1:
0xf: {  	s6 =	rddreg [dreg:$0x4]  }
0x10: {  	[tilespmem:s4], [sflag:$0x8] =	stream.linear.gather [hbm4b:s6+s4], $0x400, $0x38;
	[tilespmem:$0x1C400] =	vst v63  }
0x11: {  	_ =	swait.ge [sflag:s12], $0x400  }
0x12: {  	[sflag:s12] =	ssyncset.done $0x0  }
0x13: {  	[sflag:s12] =	ssyncadd.s32 $0xFFFFFC00  }
0x14: {  	v3 =	vld [tilespmem:$0x0];
	_ =	sdelay $0x4  }
0x15: {  	v4 =	vshll.u32 v3, $0x3  }
0x16: {  	v3 =	vand.u32 $0x7, v3;
	v4 =	vand.u32 $0xFFFFFFC0, v4  }
0x17: {  	v3 =	vor.u32 v3, v4  }
0x18: {  	v4 =	vperm.xlane v3, v0;
	_ =	sdelay $0x1  }
0x19: {  	v4 =	vadd.s32 v1, v4;
	_ =	sdelay $0x3  }
0x1a: {  	s23 =	simm.s32 $0x400  }
0x1b: {  	[tilespmem:s23], [sflag:$0x1] =	stream.indirect_vreg.gather [hbm4b:s2+s4], $0x80, v4, vm0, $0xb8;
	[tilespmem:$0x1C400] =	vst v63  }
0x1c: {  	s24 =	simm.s32 $0xC00;
	v3 =	vperm.xlane v3, v2  }
0x1d: {  	[tilespmem:s24], [sflag:$0x1] =	stream.indirect_vreg.gather [hbm4b:s7+s4], $0x80, v4, vm0, $0xb8;
	[tilespmem:$0x1C400] =	vst v63  }
0x1e: {  	s11 =	simm.s32 $0x1400;
	v3 =	vadd.s32 v1, v3  }
0x1f: {  	[tilespmem:s11], [sflag:$0x1] =	stream.indirect_vreg.gather [hbm4b:s8+s4], $0x80, v4, vm0, $0xb8;
	[tilespmem:$0x1C400] =	vst v63  }
0x20: {  	s16 =	simm.s32 $0x1C00  }
0x21: {  	[tilespmem:s16], [sflag:$0x1] =	stream.indirect_vreg.gather [hbm4b:s9+s4], $0x80, v4, vm0, $0xb8;
	[tilespmem:$0x1C400] =	vst v63  }
0x22: {  	s17 =	simm.s32 $0x2400  }
0x23: {  	[tilespmem:s17], [sflag:$0x1] =	stream.indirect_vreg.gather [hbm4b:s2+s4], $0x80, v3, vm0, $0xb8;
	[tilespmem:$0x1C400] =	vst v63  }
0x24: {  	s18 =	simm.s32 $0x2C00  }
0x25: {  	[tilespmem:s18], [sflag:$0x1] =	stream.indirect_vreg.gather [hbm4b:s7+s4], $0x80, v3, vm0, $0xb8;
	[tilespmem:$0x1C400] =	vst v63  }
0x26: {  	s19 =	simm.s32 $0x3400  }
0x27: {  	[tilespmem:s19], [sflag:$0x1] =	stream.indirect_vreg.gather [hbm4b:s8+s4], $0x80, v3, vm0, $0xb8;
	[tilespmem:$0x1C400] =	vst v63  }
0x28: {  	s20 =	simm.s32 $0x3C00  }
0x29: {  	[tilespmem:s20], [sflag:$0x1] =	stream.indirect_vreg.gather [hbm4b:s9+s4], $0x80, v3, vm0, $0xb8;
	[tilespmem:$0x1C400] =	vst v63  }
0x2a: {  	v3 =	vld [tilespmem:$0x10];
	_ =	sdelay $0x4  }
0x2b: {  	v61 =	vshll.u32 v3, $0x3  }
0x2c: {  	v3 =	vand.u32 $0x7, v3;
	v4 =	vand.u32 $0xFFFFFFC0, v61  }
0x2d: {  	v3 =	vor.u32 v3, v4  }
0x2e: {  	v4 =	vperm.xlane v3, v0;
	_ =	sdelay $0x1  }
0x2f: {  	v4 =	vadd.s32 v1, v4;
	_ =	sdelay $0x3  }
0x30: {  	s21 =	simm.s32 $0x4400  }
0x31: {  	[tilespmem:s21], [sflag:$0x2] =	stream.indirect_vreg.gather [hbm4b:s2+s4], $0x80, v4, vm0, $0xb8;
	[tilespmem:$0x1C400] =	vst v63  }
0x32: {  	s22 =	simm.s32 $0x4C00;
	v3 =	vperm.xlane v3, v2  }
0x33: {  	[tilespmem:s22], [sflag:$0x2] =	stream.indirect_vreg.gather [hbm4b:s7+s4], $0x80, v4, vm0, $0xb8;
	[tilespmem:$0x1C400] =	vst v63  }
0x34: {  	s23 =	simm.s32 $0x5400;
	v3 =	vadd.s32 v1, v3  }
0x35: {  	[tilespmem:s23], [sflag:$0x2] =	stream.indirect_vreg.gather [hbm4b:s8+s4], $0x80, v4, vm0, $0xb8;
	[tilespmem:$0x1C400] =	vst v63  }
0x36: {  	s24 =	simm.s32 $0x5C00  }
0x37: {  	[tilespmem:s24], [sflag:$0x2] =	stream.indirect_vreg.gather [hbm4b:s9+s4], $0x80, v4, vm0, $0xb8;
	[tilespmem:$0x1C400] =	vst v63  }
0x38: {  	s11 =	simm.s32 $0x6400  }
0x39: {  	[tilespmem:s11], [sflag:$0x2] =	stream.indirect_vreg.gather [hbm4b:s2+s4], $0x80, v3, vm0, $0xb8;
	[tilespmem:$0x1C400] =	vst v63  }
0x3a: {  	s16 =	simm.s32 $0x6C00  }
0x3b: {  	[tilespmem:s16], [sflag:$0x2] =	stream.indirect_vreg.gather [hbm4b:s7+s4], $0x80, v3, vm0, $0xb8;
	[tilespmem:$0x1C400] =	vst v63  }
0x3c: {  	s17 =	simm.s32 $0x7400  }
0x3d: {  	[tilespmem:s17], [sflag:$0x2] =	stream.indirect_vreg.gather [hbm4b:s8+s4], $0x80, v3, vm0, $0xb8;
	[tilespmem:$0x1C400] =	vst v63  }
0x3e: {  	s18 =	simm.s32 $0x7C00  }
0x3f: {  	[tilespmem:s18], [sflag:$0x2] =	stream.indirect_vreg.gather [hbm4b:s9+s4], $0x80, v3, vm0, $0xb8;
	[tilespmem:$0x1C400] =	vst v63  }
0x40: {  	v3 =	vld [tilespmem:$0x20];
	_ =	sdelay $0x4  }
0x41: {  	v62 =	vshll.u32 v3, $0x3  }
0x42: {  	v3 =	vand.u32 $0x7, v3;
	v4 =	vand.u32 $0xFFFFFFC0, v62  }
0x43: {  	v3 =	vor.u32 v3, v4  }
0x44: {  	v4 =	vperm.xlane v3, v0;
	_ =	sdelay $0x1  }
0x45: {  	v4 =	vadd.s32 v1, v4;
	_ =	sdelay $0x3  }
0x46: {  	s19 =	simm.s32 $0x8400  }
0x47: {  	[tilespmem:s19], [sflag:$0x3] =	stream.indirect_vreg.gather [hbm4b:s2+s4], $0x80, v4, vm0, $0xb8;
	[tilespmem:$0x1C400] =	vst v63  }
0x48: {  	s20 =	simm.s32 $0x8C00;
	v3 =	vperm.xlane v3, v2  }
0x49: {  	[tilespmem:s20], [sflag:$0x3] =	stream.indirect_vreg.gather [hbm4b:s7+s4], $0x80, v4, vm0, $0xb8;
	[tilespmem:$0x1C400] =	vst v63  }
0x4a: {  	s21 =	simm.s32 $0x9400;
	v3 =	vadd.s32 v1, v3  }
0x4b: {  	[tilespmem:s21], [sflag:$0x3] =	stream.indirect_vreg.gather [hbm4b:s8+s4], $0x80, v4, vm0, $0xb8;
	[tilespmem:$0x1C400] =	vst v63  }
0x4c: {  	s22 =	simm.s32 $0x9C00  }
0x4d: {  	[tilespmem:s22], [sflag:$0x3] =	stream.indirect_vreg.gather [hbm4b:s9+s4], $0x80, v4, vm0, $0xb8;
	[tilespmem:$0x1C400] =	vst v63  }
0x4e: {  	s23 =	simm.s32 $0xA400  }
0x4f: {  	[tilespmem:s23], [sflag:$0x3] =	stream.indirect_vreg.gather [hbm4b:s2+s4], $0x80, v3, vm0, $0xb8;
	[tilespmem:$0x1C400] =	vst v63  }
0x50: {  	s24 =	simm.s32 $0xAC00  }
0x51: {  	[tilespmem:s24], [sflag:$0x3] =	stream.indirect_vreg.gather [hbm4b:s7+s4], $0x80, v3, vm0, $0xb8;
	[tilespmem:$0x1C400] =	vst v63  }
0x52: {  	s11 =	simm.s32 $0xB400  }
0x53: {  	[tilespmem:s11], [sflag:$0x3] =	stream.indirect_vreg.gather [hbm4b:s8+s4], $0x80, v3, vm0, $0xb8;
	[tilespmem:$0x1C400] =	vst v63  }
0x54: {  	s16 =	simm.s32 $0xBC00  }
0x55: {  	[tilespmem:s16], [sflag:$0x3] =	stream.indirect_vreg.gather [hbm4b:s9+s4], $0x80, v3, vm0, $0xb8;
	[tilespmem:$0x1C400] =	vst v63  }
0x56: {  	v3 =	vld [tilespmem:$0x30];
	_ =	sdelay $0x4  }
0x57: {  	v63 =	vshll.u32 v3, $0x3  }
0x58: {  	v3 =	vand.u32 $0x7, v3;
	v4 =	vand.u32 $0xFFFFFFC0, v63  }
0x59: {  	v3 =	vor.u32 v3, v4  }
0x5a: {  	v4 =	vperm.xlane v3, v0;
	_ =	sdelay $0x1  }
0x5b: {  	v4 =	vadd.s32 v1, v4;
	_ =	sdelay $0x3  }
0x5c: {  	s17 =	simm.s32 $0xC400  }
0x5d: {  	[tilespmem:s17], [sflag:$0x4] =	stream.indirect_vreg.gather [hbm4b:s2+s4], $0x80, v4, vm0, $0xb8;
	[tilespmem:$0x1C400] =	vst v63  }
0x5e: {  	s18 =	simm.s32 $0xCC00;
	v3 =	vperm.xlane v3, v2  }
0x5f: {  	[tilespmem:s18], [sflag:$0x4] =	stream.indirect_vreg.gather [hbm4b:s7+s4], $0x80, v4, vm0, $0xb8;
	[tilespmem:$0x1C400] =	vst v63  }
0x60: {  	s19 =	simm.s32 $0xD400;
	v3 =	vadd.s32 v1, v3  }
0x61: {  	[tilespmem:s19], [sflag:$0x4] =	stream.indirect_vreg.gather [hbm4b:s8+s4], $0x80, v4, vm0, $0xb8;
	[tilespmem:$0x1C400] =	vst v63  }
0x62: {  	s20 =	simm.s32 $0xDC00  }
0x63: {  	[tilespmem:s20], [sflag:$0x4] =	stream.indirect_vreg.gather [hbm4b:s9+s4], $0x80, v4, vm0, $0xb8;
	[tilespmem:$0x1C400] =	vst v63  }
0x64: {  	s21 =	simm.s32 $0xE400  }
0x65: {  	[tilespmem:s21], [sflag:$0x4] =	stream.indirect_vreg.gather [hbm4b:s2+s4], $0x80, v3, vm0, $0xb8;
	[tilespmem:$0x1C400] =	vst v63  }
0x66: {  	s22 =	simm.s32 $0xEC00  }
0x67: {  	[tilespmem:s22], [sflag:$0x4] =	stream.indirect_vreg.gather [hbm4b:s7+s4], $0x80, v3, vm0, $0xb8;
	[tilespmem:$0x1C400] =	vst v63  }
0x68: {  	s23 =	simm.s32 $0xF400  }
0x69: {  	[tilespmem:s23], [sflag:$0x4] =	stream.indirect_vreg.gather [hbm4b:s8+s4], $0x80, v3, vm0, $0xb8;
	[tilespmem:$0x1C400] =	vst v63  }
0x6a: {  	s24 =	simm.s32 $0xFC00;
	s16 =	simm.s32 $0x0  }
0x6b: {  	[tilespmem:s24], [sflag:$0x4] =	stream.indirect_vreg.gather [hbm4b:s9+s4], $0x80, v3, vm0, $0xb8;
	[tilespmem:$0x1C400] =	vst v63  }
.LBB2_2:
0x6c: {  	_ =	swait.ge [sflag:s25], $0x4000  }
0x6d: {  	p1 =	seq.s32 s16, $0x0;
	[sflag:s25] =	ssyncset.done $0x0  }
0x6e: {  	s11 =	simm.s32 $0x0;
	s6 =	simm.s32 @!p1 $0x5;
	[sflag:s25] =	ssyncadd.s32 $0xFFFFC000  }
0x6f: {  	s17 =	sand.u32 $0x2000, s11;
	s18 =	sand.u32 $0x1C00, s11;
	_ =	swait.ge @!p1 [sflag:s6], $0x4000  }
0x70: {  	s11 =	sand.u32 $0x380, s11;
	s17 =	sor.u32 s18, s17;
	[sflag:s6] =	ssyncset.done @!p1 $0x0  }
0x71: {  	s19 =	sor.u32 s11, s17;
	[sflag:s6] =	ssyncadd.s32 @!p1 $0xFFFFC000  }
0x72: {  	v3 =	vld [tilespmem:s19+$0x470]  }
0x73: {  	v4 =	vld [tilespmem:s19+$0x400]  }
0x74: {  	v5 =	vld [tilespmem:s19+$0x410]  }
0x75: {  	v7 =	vld [tilespmem:s19+$0x420]  }
0x76: {  	s20 =	simm.s32 $0x400;
	s21 =	simm.s32 $0x80;
	v8 =	vld [tilespmem:s19+$0x430]  }
0x77: {  	s22 =	simm.s32 $0x10;
	s11 =	sand.u32 $0x2000, s21;
	s6 =	sand.u32 $0x1C00, s20;
	v9 =	vld [tilespmem:s19+$0x440];
	v3 =	vmul.f32 $3.200000000e+01, v3  }
0x78: {  	s23 =	sand.u32 $0x380, s22;
	v10 =	vld [tilespmem:s19+$0x450];
	s6 =	sor.u32 s6, s11;
	v4 =	vmul.f32 $3.200000000e+01, v4  }
0x79: {  	v11 =	vld [tilespmem:s19+$0x460];
	s18 =	sor.u32 s23, s6;
	[tilespmem:s19+$0x10470] =	vst v3;
	v3 =	vmul.f32 $3.200000000e+01, v5  }
0x7a: {  	v12 =	vld [tilespmem:s18+$0x470];
	[tilespmem:s19+$0x10400] =	vst v4;
	v4 =	vmul.f32 $3.200000000e+01, v7  }
0x7b: {  	v7 =	vmul.f32 $3.200000000e+01, v8;
	v6 =	vld [tilespmem:s18+$0x400];
	[tilespmem:s19+$0x10410] =	vst v3  }
0x7c: {  	v8 =	vmul.f32 $3.200000000e+01, v9;
	v5 =	vld [tilespmem:s18+$0x410];
	[tilespmem:s19+$0x10420] =	vst v4  }
0x7d: {  	s24 =	simm.s32 $0x800;
	v10 =	vmul.f32 $3.200000000e+01, v10;
	v3 =	vld [tilespmem:s18+$0x420];
	[tilespmem:s19+$0x10430] =	vst v7  }
0x7e: {  	s22 =	simm.s32 $0xC00;
	s17 =	sshll.u32 s16, $0x6;
	s21 =	simm.s32 $0x100;
	v4 =	vld [tilespmem:s18+$0x430];
	[tilespmem:s19+$0x10440] =	vst v8;
	v8 =	vmul.f32 $3.200000000e+01, v11  }
0x7f: {  	s20 =	simm.s32 $0x20;
	s23 =	sand.u32 $0x2000, s21;
	s6 =	sand.u32 $0x1C00, s24;
	v7 =	vld [tilespmem:s18+$0x440];
	v9 =	vmul.f32 $3.200000000e+01, v12;
	[tilespmem:s19+$0x10450] =	vst v10  }
.LBB2_3:
0x80: {  	p0 =	sne.s32 s22, $0x1FC00;
	s6 =	sor.u32 s6, s23;
	s11 =	sand.u32 $0x380, s20;
	v6 =	vmul.f32 $3.200000000e+01, v6;
	v10 =	vld [tilespmem:s18+$0x450];
	[tilespmem:s19+$0x10460] =	vst v8  }
0x81: {  	s19 =	smov.u32 s18;
	v5 =	vmul.f32 $3.200000000e+01, v5;
	v8 =	vld [tilespmem:s18+$0x460];
	[tilespmem:s18+$0x10470] =	vst v9;
	s18 =	sor.u32 s11, s6  }
0x82: {  	v9 =	vld [tilespmem:s18+$0x470];
	[tilespmem:s19+$0x10400] =	vst v6;
	v3 =	vmul.f32 $3.200000000e+01, v3  }
.Ltmp0:
0x83: {  	v6 =	vld [tilespmem:s18+$0x400];
	[tilespmem:s19+$0x10410] =	vst v5;
	v4 =	vmul.f32 $3.200000000e+01, v4;
	(pc) =	sbr.rel @p0 .LBB2_3-.Ltmp0, $4  }
0x84: {  	v5 =	vld [tilespmem:s18+$0x410];
	[tilespmem:s19+$0x10420] =	vst v3;
	v7 =	vmul.f32 $3.200000000e+01, v7  }
0x85: {  	v3 =	vld [tilespmem:s18+$0x420];
	[tilespmem:s19+$0x10430] =	vst v4;
	v10 =	vmul.f32 $3.200000000e+01, v10  }
0x86: {  	s20 =	sadd.s32 $0x10, s20;
	s21 =	sadd.s32 $0x80, s21;
	v4 =	vld [tilespmem:s18+$0x430];
	[tilespmem:s19+$0x10440] =	vst v7;
	v8 =	vmul.f32 $3.200000000e+01, v8  }
0x87: {  	s23 =	sand.u32 $0x2000, s21;
	s6 =	sand.u32 $0x1C00, s22;
	s22 =	sadd.s32 $0x400, s22;
	v7 =	vld [tilespmem:s18+$0x440];
	v9 =	vmul.f32 $3.200000000e+01, v9;
	[tilespmem:s19+$0x10450] =	vst v10  }
0x88: {  	v10 =	vld [tilespmem:s18+$0x450];
	[tilespmem:s19+$0x10460] =	vst v8;
	s6 =	sor.u32 s6, s23;
	s11 =	sand.u32 $0x380, s20;
	v6 =	vmul.f32 $3.200000000e+01, v6  }
0x89: {  	v8 =	vld [tilespmem:s18+$0x460];
	s6 =	sor.u32 s11, s6;
	[tilespmem:s18+$0x10470] =	vst v9;
	v5 =	vmul.f32 $3.200000000e+01, v5  }
0x8a: {  	v9 =	vld [tilespmem:s6+$0x470];
	[tilespmem:s18+$0x10400] =	vst v6;
	v3 =	vmul.f32 $3.200000000e+01, v3  }
0x8b: {  	v6 =	vld [tilespmem:s6+$0x400];
	[tilespmem:s18+$0x10410] =	vst v5;
	v4 =	vmul.f32 $3.200000000e+01, v4  }
0x8c: {  	v5 =	vld [tilespmem:s6+$0x410];
	[tilespmem:s18+$0x10420] =	vst v3;
	v7 =	vmul.f32 $3.200000000e+01, v7  }
0x8d: {  	v3 =	vld [tilespmem:s6+$0x420];
	[tilespmem:s18+$0x10430] =	vst v4;
	v10 =	vmul.f32 $3.200000000e+01, v10  }
0x8e: {  	v4 =	vld [tilespmem:s6+$0x430];
	[tilespmem:s18+$0x10440] =	vst v7;
	v8 =	vmul.f32 $3.200000000e+01, v8  }
0x8f: {  	v7 =	vld [tilespmem:s6+$0x440];
	[tilespmem:s18+$0x10450] =	vst v10;
	v9 =	vmul.f32 $3.200000000e+01, v9  }
0x90: {  	v10 =	vld [tilespmem:s6+$0x450];
	v6 =	vmul.f32 $3.200000000e+01, v6;
	[tilespmem:s18+$0x10460] =	vst v8  }
0x91: {  	v5 =	vmul.f32 $3.200000000e+01, v5;
	v8 =	vld [tilespmem:s6+$0x460];
	[tilespmem:s6+$0x10470] =	vst v9  }
0x92: {  	[tilespmem:s6+$0x10400] =	vst v6;
	v3 =	vmul.f32 $3.200000000e+01, v3  }
0x93: {  	[tilespmem:s6+$0x10410] =	vst v5;
	v4 =	vmul.f32 $3.200000000e+01, v4  }
0x94: {  	[tilespmem:s6+$0x10420] =	vst v3;
	v3 =	vmul.f32 $3.200000000e+01, v7  }
0x95: {  	[tilespmem:s6+$0x10430] =	vst v4;
	v4 =	vmul.f32 $3.200000000e+01, v10  }
0x96: {  	p0 =	seq.s32 s16, $0xF;
	[tilespmem:s6+$0x10440] =	vst v3;
	v3 =	vmul.f32 $3.200000000e+01, v8  }
0x97: {  	s11 =	sshll.u32 @!p0 s16, $0x6;
	[tilespmem:s6+$0x10450] =	vst v4  }
0x98: {  	s18 =	sand.u32 @!p0 $0x3FFFFFC0, s11;
	[tilespmem:s6+$0x10460] =	vst v3  }
0x99: {  	v3 =	vld @!p0 [tilespmem:s18+$0x40];
	_ =	sdelay $0x4  }
0x9a: {  	v4 =	vshll.u32 @!p0 v3, $0x3  }
0x9b: {  	v5 =	vlaneseq.u32 @!p0;
	v3 =	vand.u32 @!p0 $0x7, v3;
	v4 =	vand.u32 @!p0 $0xFFFFFFC0, v4  }
0x9c: {  	v6 =	vshrl.u32 @!p0 v5, $0x3;
	v3 =	vor.u32 @!p0 v3, v4;
	v4 =	vand.u32 @!p0 $0x7, v5  }
0x9d: {  	v6 =	vmul.u32 @!p0 $0x8, v6;
	v4 =	vperm.xlane @!p0 v3, v4;
	_ =	sdelay $0x1  }
0x9e: {  	v4 =	vadd.s32 @!p0 v6, v4;
	_ =	sdelay $0x3  }
0x9f: {  	vm1 =	vmmov @!p0 $0xffff;
	s11 =	simm.s32 @!p0 $0x400;
	s6 =	simm.s32 @!p0 $0x0  }
0xa0: {  	v5 =	vor.u32 @!p0 $0x8, v5;
	[tilespmem:s11], [sflag:$0x1] =	stream.indirect_vreg.gather @!p0 [hbm4b:s2+s6], $0x80, v4, vm1, $0xb8;
	[tilespmem:$0x1C400] =	vst v63  }
0xa1: {  	v3 =	vperm.xlane @!p0 v3, v5;
	s11 =	simm.s32 @!p0 $0xC00  }
0xa2: {  	[tilespmem:s11], [sflag:$0x1] =	stream.indirect_vreg.gather @!p0 [hbm4b:s7+s6], $0x80, v4, vm1, $0xb8;
	[tilespmem:$0x1C400] =	vst v63  }
0xa3: {  	v3 =	vadd.s32 @!p0 v6, v3;
	s11 =	simm.s32 @!p0 $0x1400  }
0xa4: {  	[tilespmem:s11], [sflag:$0x1] =	stream.indirect_vreg.gather @!p0 [hbm4b:s8+s6], $0x80, v4, vm1, $0xb8;
	[tilespmem:$0x1C400] =	vst v63  }
0xa5: {  	s11 =	simm.s32 @!p0 $0x1C00  }
0xa6: {  	[tilespmem:s11], [sflag:$0x1] =	stream.indirect_vreg.gather @!p0 [hbm4b:s9+s6], $0x80, v4, vm1, $0xb8;
	[tilespmem:$0x1C400] =	vst v63  }
0xa7: {  	s11 =	simm.s32 @!p0 $0x2400  }
0xa8: {  	[tilespmem:s11], [sflag:$0x1] =	stream.indirect_vreg.gather @!p0 [hbm4b:s2+s6], $0x80, v3, vm1, $0xb8;
	[tilespmem:$0x1C400] =	vst v63  }
0xa9: {  	s11 =	simm.s32 @!p0 $0x2C00  }
0xaa: {  	[tilespmem:s11], [sflag:$0x1] =	stream.indirect_vreg.gather @!p0 [hbm4b:s7+s6], $0x80, v3, vm1, $0xb8;
	[tilespmem:$0x1C400] =	vst v63  }
0xab: {  	s11 =	simm.s32 @!p0 $0x3400  }
0xac: {  	[tilespmem:s11], [sflag:$0x1] =	stream.indirect_vreg.gather @!p0 [hbm4b:s8+s6], $0x80, v3, vm1, $0xb8;
	[tilespmem:$0x1C400] =	vst v63  }
0xad: {  	s20 =	sshll.u32 s16, $0xD;
	s11 =	simm.s32 @!p0 $0x3C00  }
0xae: {  	[tilespmem:s11], [sflag:$0x1] =	stream.indirect_vreg.gather @!p0 [hbm4b:s9+s6], $0x80, v3, vm1, $0xb8;
	[tilespmem:$0x1C400] =	vst v63  }
0xaf: {  	s6 =	sadd.s32 s20, s10  }
0xb0: {  	[hbm4b:s6+s4] =	stream.linear.scatter [tilespmem:s26], [sflag:$0x5], $0x4000, $0x38;
	[tilespmem:$0x1C400] =	vst v63  }
0xb1: {  	_ =	swait.ge [sflag:s28], $0x4000  }
0xb2: {  	[sflag:s28] =	ssyncset.done $0x0  }
0xb3: {  	s21 =	simm.s32 $0x0;
	s6 =	simm.s32 @!p1 $0x6;
	[sflag:s28] =	ssyncadd.s32 $0xFFFFC000  }
0xb4: {  	s22 =	sand.u32 $0x2000, s21;
	s23 =	sand.u32 $0x1C00, s21;
	_ =	swait.ge @!p1 [sflag:s6], $0x4000  }
0xb5: {  	s19 =	sor.u32 s23, s22;
	s11 =	sand.u32 $0x380, s21;
	[sflag:s6] =	ssyncset.done @!p1 $0x0  }
0xb6: {  	s20 =	sor.u32 s11, s19;
	[sflag:s6] =	ssyncadd.s32 @!p1 $0xFFFFC000  }
0xb7: {  	v3 =	vld [tilespmem:s20+$0x4470]  }
0xb8: {  	v4 =	vld [tilespmem:s20+$0x4400]  }
0xb9: {  	v5 =	vld [tilespmem:s20+$0x4410]  }
0xba: {  	v7 =	vld [tilespmem:s20+$0x4420]  }
0xbb: {  	s24 =	simm.s32 $0x400;
	s19 =	simm.s32 $0x80;
	v8 =	vld [tilespmem:s20+$0x4430]  }
0xbc: {  	s21 =	simm.s32 $0x10;
	s11 =	sand.u32 $0x2000, s19;
	s6 =	sand.u32 $0x1C00, s24;
	v9 =	vld [tilespmem:s20+$0x4440];
	v3 =	vmul.f32 $3.200000000e+01, v3  }
0xbd: {  	s22 =	sand.u32 $0x380, s21;
	v10 =	vld [tilespmem:s20+$0x4450];
	s6 =	sor.u32 s6, s11;
	v4 =	vmul.f32 $3.200000000e+01, v4  }
0xbe: {  	v11 =	vld [tilespmem:s20+$0x4460];
	s19 =	sor.u32 s22, s6;
	[tilespmem:s20+$0x14470] =	vst v3;
	v3 =	vmul.f32 $3.200000000e+01, v5  }
0xbf: {  	v12 =	vld [tilespmem:s19+$0x4470];
	[tilespmem:s20+$0x14400] =	vst v4;
	v4 =	vmul.f32 $3.200000000e+01, v7  }
0xc0: {  	v7 =	vmul.f32 $3.200000000e+01, v8;
	v6 =	vld [tilespmem:s19+$0x4400];
	[tilespmem:s20+$0x14410] =	vst v3  }
0xc1: {  	v8 =	vmul.f32 $3.200000000e+01, v9;
	v5 =	vld [tilespmem:s19+$0x4410];
	[tilespmem:s20+$0x14420] =	vst v4  }
0xc2: {  	v10 =	vmul.f32 $3.200000000e+01, v10;
	v3 =	vld [tilespmem:s19+$0x4420];
	[tilespmem:s20+$0x14430] =	vst v7  }
0xc3: {  	s23 =	simm.s32 $0x800;
	s21 =	simm.s32 $0x20;
	s22 =	simm.s32 $0x100;
	v4 =	vld [tilespmem:s19+$0x4430];
	[tilespmem:s20+$0x14440] =	vst v8;
	v8 =	vmul.f32 $3.200000000e+01, v11  }
0xc4: {  	s6 =	sand.u32 $0x1C00, s23;
	s23 =	simm.s32 $0xC00;
	s24 =	sand.u32 $0x2000, s22;
	v7 =	vld [tilespmem:s19+$0x4440];
	v9 =	vmul.f32 $3.200000000e+01, v12;
	[tilespmem:s20+$0x14450] =	vst v10  }
.LBB2_5:
0xc5: {  	p2 =	sne.s32 s23, $0x1FC00;
	s6 =	sor.u32 s6, s24;
	s11 =	sand.u32 $0x380, s21;
	v6 =	vmul.f32 $3.200000000e+01, v6;
	v10 =	vld [tilespmem:s19+$0x4450];
	[tilespmem:s20+$0x14460] =	vst v8  }
0xc6: {  	s20 =	smov.u32 s19;
	v5 =	vmul.f32 $3.200000000e+01, v5;
	v8 =	vld [tilespmem:s19+$0x4460];
	[tilespmem:s19+$0x14470] =	vst v9;
	s19 =	sor.u32 s11, s6  }
0xc7: {  	v9 =	vld [tilespmem:s19+$0x4470];
	[tilespmem:s20+$0x14400] =	vst v6;
	v3 =	vmul.f32 $3.200000000e+01, v3  }
.Ltmp1:
0xc8: {  	v6 =	vld [tilespmem:s19+$0x4400];
	[tilespmem:s20+$0x14410] =	vst v5;
	v4 =	vmul.f32 $3.200000000e+01, v4;
	(pc) =	sbr.rel @p2 .LBB2_5-.Ltmp1, $4  }
0xc9: {  	v5 =	vld [tilespmem:s19+$0x4410];
	[tilespmem:s20+$0x14420] =	vst v3;
	v7 =	vmul.f32 $3.200000000e+01, v7  }
0xca: {  	v3 =	vld [tilespmem:s19+$0x4420];
	[tilespmem:s20+$0x14430] =	vst v4;
	v10 =	vmul.f32 $3.200000000e+01, v10  }
0xcb: {  	s21 =	sadd.s32 $0x10, s21;
	s22 =	sadd.s32 $0x80, s22;
	v4 =	vld [tilespmem:s19+$0x4430];
	[tilespmem:s20+$0x14440] =	vst v7;
	v8 =	vmul.f32 $3.200000000e+01, v8  }
0xcc: {  	s24 =	sand.u32 $0x2000, s22;
	s6 =	sand.u32 $0x1C00, s23;
	s23 =	sadd.s32 $0x400, s23;
	v7 =	vld [tilespmem:s19+$0x4440];
	v9 =	vmul.f32 $3.200000000e+01, v9;
	[tilespmem:s20+$0x14450] =	vst v10  }
0xcd: {  	v10 =	vld [tilespmem:s19+$0x4450];
	[tilespmem:s20+$0x14460] =	vst v8;
	s6 =	sor.u32 s6, s24;
	s11 =	sand.u32 $0x380, s21;
	v6 =	vmul.f32 $3.200000000e+01, v6  }
0xce: {  	v8 =	vld [tilespmem:s19+$0x4460];
	s6 =	sor.u32 s11, s6;
	[tilespmem:s19+$0x14470] =	vst v9;
	v5 =	vmul.f32 $3.200000000e+01, v5  }
0xcf: {  	v9 =	vld [tilespmem:s6+$0x4470];
	[tilespmem:s19+$0x14400] =	vst v6;
	v3 =	vmul.f32 $3.200000000e+01, v3  }
0xd0: {  	v6 =	vld [tilespmem:s6+$0x4400];
	[tilespmem:s19+$0x14410] =	vst v5;
	v4 =	vmul.f32 $3.200000000e+01, v4  }
0xd1: {  	v5 =	vld [tilespmem:s6+$0x4410];
	[tilespmem:s19+$0x14420] =	vst v3;
	v7 =	vmul.f32 $3.200000000e+01, v7  }
0xd2: {  	v3 =	vld [tilespmem:s6+$0x4420];
	[tilespmem:s19+$0x14430] =	vst v4;
	v10 =	vmul.f32 $3.200000000e+01, v10  }
0xd3: {  	v4 =	vld [tilespmem:s6+$0x4430];
	[tilespmem:s19+$0x14440] =	vst v7;
	v8 =	vmul.f32 $3.200000000e+01, v8  }
0xd4: {  	v7 =	vld [tilespmem:s6+$0x4440];
	[tilespmem:s19+$0x14450] =	vst v10;
	v9 =	vmul.f32 $3.200000000e+01, v9  }
0xd5: {  	v10 =	vld [tilespmem:s6+$0x4450];
	v6 =	vmul.f32 $3.200000000e+01, v6;
	[tilespmem:s19+$0x14460] =	vst v8  }
0xd6: {  	v5 =	vmul.f32 $3.200000000e+01, v5;
	v8 =	vld [tilespmem:s6+$0x4460];
	[tilespmem:s6+$0x14470] =	vst v9  }
0xd7: {  	[tilespmem:s6+$0x14400] =	vst v6;
	v3 =	vmul.f32 $3.200000000e+01, v3  }
0xd8: {  	[tilespmem:s6+$0x14410] =	vst v5;
	v4 =	vmul.f32 $3.200000000e+01, v4  }
0xd9: {  	[tilespmem:s6+$0x14420] =	vst v3;
	v3 =	vmul.f32 $3.200000000e+01, v7  }
0xda: {  	[tilespmem:s6+$0x14430] =	vst v4;
	v4 =	vmul.f32 $3.200000000e+01, v10  }
0xdb: {  	[tilespmem:s6+$0x14440] =	vst v3;
	v3 =	vmul.f32 $3.200000000e+01, v8  }
0xdc: {  	[tilespmem:s6+$0x14450] =	vst v4  }
0xdd: {  	[tilespmem:s6+$0x14460] =	vst v3  }
0xde: {  	v3 =	vld @!p0 [tilespmem:s18+$0x50];
	_ =	sdelay $0x4  }
0xdf: {  	v4 =	vshll.u32 @!p0 v3, $0x3  }
0xe0: {  	v5 =	vlaneseq.u32 @!p0;
	v3 =	vand.u32 @!p0 $0x7, v3;
	v4 =	vand.u32 @!p0 $0xFFFFFFC0, v4  }
0xe1: {  	v6 =	vshrl.u32 @!p0 v5, $0x3;
	v3 =	vor.u32 @!p0 v3, v4;
	v4 =	vand.u32 @!p0 $0x7, v5  }
0xe2: {  	v6 =	vmul.u32 @!p0 $0x8, v6;
	v4 =	vperm.xlane @!p0 v3, v4;
	_ =	sdelay $0x1  }
0xe3: {  	v4 =	vadd.s32 @!p0 v6, v4;
	_ =	sdelay $0x3  }
0xe4: {  	s11 =	simm.s32 @!p0 $0x4400;
	s6 =	simm.s32 @!p0 $0x0  }
0xe5: {  	v5 =	vor.u32 @!p0 $0x8, v5;
	[tilespmem:s11], [sflag:$0x2] =	stream.indirect_vreg.gather @!p0 [hbm4b:s2+s6], $0x80, v4, vm1, $0xb8;
	[tilespmem:$0x1C400] =	vst v63  }
0xe6: {  	v3 =	vperm.xlane @!p0 v3, v5;
	s11 =	simm.s32 @!p0 $0x4C00  }
0xe7: {  	[tilespmem:s11], [sflag:$0x2] =	stream.indirect_vreg.gather @!p0 [hbm4b:s7+s6], $0x80, v4, vm1, $0xb8;
	[tilespmem:$0x1C400] =	vst v63  }
0xe8: {  	v3 =	vadd.s32 @!p0 v6, v3;
	s11 =	simm.s32 @!p0 $0x5400  }
0xe9: {  	[tilespmem:s11], [sflag:$0x2] =	stream.indirect_vreg.gather @!p0 [hbm4b:s8+s6], $0x80, v4, vm1, $0xb8;
	[tilespmem:$0x1C400] =	vst v63  }
0xea: {  	s11 =	simm.s32 @!p0 $0x5C00  }
0xeb: {  	[tilespmem:s11], [sflag:$0x2] =	stream.indirect_vreg.gather @!p0 [hbm4b:s9+s6], $0x80, v4, vm1, $0xb8;
	[tilespmem:$0x1C400] =	vst v63  }
0xec: {  	s11 =	simm.s32 @!p0 $0x6400  }
0xed: {  	[tilespmem:s11], [sflag:$0x2] =	stream.indirect_vreg.gather @!p0 [hbm4b:s2+s6], $0x80, v3, vm1, $0xb8;
	[tilespmem:$0x1C400] =	vst v63  }
0xee: {  	s11 =	simm.s32 @!p0 $0x6C00  }
0xef: {  	[tilespmem:s11], [sflag:$0x2] =	stream.indirect_vreg.gather @!p0 [hbm4b:s7+s6], $0x80, v3, vm1, $0xb8;
	[tilespmem:$0x1C400] =	vst v63  }
0xf0: {  	s11 =	simm.s32 @!p0 $0x7400  }
0xf1: {  	[tilespmem:s11], [sflag:$0x2] =	stream.indirect_vreg.gather @!p0 [hbm4b:s8+s6], $0x80, v3, vm1, $0xb8;
	[tilespmem:$0x1C400] =	vst v63  }
0xf2: {  	s23 =	sadd.s32 s17, s5;
	s11 =	simm.s32 @!p0 $0x7C00  }
0xf3: {  	[tilespmem:s11], [sflag:$0x2] =	stream.indirect_vreg.gather @!p0 [hbm4b:s9+s6], $0x80, v3, vm1, $0xb8;
	[tilespmem:$0x1C400] =	vst v63  }
0xf4: {  	s6 =	sshll.u32 s23, $0x7  }
0xf5: {  	s19 =	sadd.s32 s3, s6  }
0xf6: {  	s6 =	sadd.s32 $0x800, s19  }
0xf7: {  	[hbm4b:s6+s4] =	stream.linear.scatter [tilespmem:s29], [sflag:$0x6], $0x4000, $0x38;
	[tilespmem:$0x1C400] =	vst v63  }
0xf8: {  	_ =	swait.ge [sflag:s30], $0x4000  }
0xf9: {  	[sflag:s30] =	ssyncset.done $0x0  }
0xfa: {  	s24 =	simm.s32 $0x0;
	s6 =	simm.s32 @!p1 $0x7;
	[sflag:s30] =	ssyncadd.s32 $0xFFFFC000  }
0xfb: {  	s22 =	sand.u32 $0x2000, s24;
	s23 =	sand.u32 $0x1C00, s24;
	_ =	swait.ge @!p1 [sflag:s6], $0x4000  }
0xfc: {  	s11 =	sand.u32 $0x380, s24;
	s20 =	sor.u32 s23, s22;
	[sflag:s6] =	ssyncset.done @!p1 $0x0  }
0xfd: {  	s21 =	sor.u32 s11, s20;
	[sflag:s6] =	ssyncadd.s32 @!p1 $0xFFFFC000  }
0xfe: {  	v3 =	vld [tilespmem:s21+$0x8470]  }
0xff: {  	v4 =	vld [tilespmem:s21+$0x8400]  }
0x100: {  	v5 =	vld [tilespmem:s21+$0x8410]  }
0x101: {  	v7 =	vld [tilespmem:s21+$0x8420]  }
0x102: {  	s24 =	simm.s32 $0x400;
	s20 =	simm.s32 $0x80;
	v8 =	vld [tilespmem:s21+$0x8430]  }
0x103: {  	s22 =	simm.s32 $0x10;
	s11 =	sand.u32 $0x2000, s20;
	s6 =	sand.u32 $0x1C00, s24;
	v9 =	vld [tilespmem:s21+$0x8440];
	v3 =	vmul.f32 $3.200000000e+01, v3  }
0x104: {  	s23 =	sand.u32 $0x380, s22;
	v10 =	vld [tilespmem:s21+$0x8450];
	s6 =	sor.u32 s6, s11;
	v4 =	vmul.f32 $3.200000000e+01, v4  }
0x105: {  	v11 =	vld [tilespmem:s21+$0x8460];
	s20 =	sor.u32 s23, s6;
	[tilespmem:s21+$0x18470] =	vst v3;
	v3 =	vmul.f32 $3.200000000e+01, v5  }
0x106: {  	v12 =	vld [tilespmem:s20+$0x8470];
	[tilespmem:s21+$0x18400] =	vst v4;
	v4 =	vmul.f32 $3.200000000e+01, v7  }
0x107: {  	v7 =	vmul.f32 $3.200000000e+01, v8;
	v6 =	vld [tilespmem:s20+$0x8400];
	[tilespmem:s21+$0x18410] =	vst v3  }
0x108: {  	v8 =	vmul.f32 $3.200000000e+01, v9;
	v5 =	vld [tilespmem:s20+$0x8410];
	[tilespmem:s21+$0x18420] =	vst v4  }
0x109: {  	v10 =	vmul.f32 $3.200000000e+01, v10;
	v3 =	vld [tilespmem:s20+$0x8420];
	[tilespmem:s21+$0x18430] =	vst v7  }
0x10a: {  	s22 =	simm.s32 $0x20;
	s24 =	simm.s32 $0x800;
	s23 =	simm.s32 $0x100;
	v4 =	vld [tilespmem:s20+$0x8430];
	[tilespmem:s21+$0x18440] =	vst v8;
	v8 =	vmul.f32 $3.200000000e+01, v11  }
0x10b: {  	s11 =	sand.u32 $0x1C00, s24;
	s24 =	simm.s32 $0xC00;
	s6 =	sand.u32 $0x2000, s23;
	v7 =	vld [tilespmem:s20+$0x8440];
	v9 =	vmul.f32 $3.200000000e+01, v12;
	[tilespmem:s21+$0x18450] =	vst v10  }
.LBB2_7:
0x10c: {  	p1 =	sne.s32 s24, $0x1FC00;
	s6 =	sor.u32 s11, s6;
	s11 =	sand.u32 $0x380, s22;
	v6 =	vmul.f32 $3.200000000e+01, v6;
	v10 =	vld [tilespmem:s20+$0x8450];
	[tilespmem:s21+$0x18460] =	vst v8  }
0x10d: {  	s21 =	smov.u32 s20;
	v5 =	vmul.f32 $3.200000000e+01, v5;
	v8 =	vld [tilespmem:s20+$0x8460];
	[tilespmem:s20+$0x18470] =	vst v9;
	s20 =	sor.u32 s11, s6  }
0x10e: {  	v9 =	vld [tilespmem:s20+$0x8470];
	[tilespmem:s21+$0x18400] =	vst v6;
	v3 =	vmul.f32 $3.200000000e+01, v3  }
.Ltmp2:
0x10f: {  	v6 =	vld [tilespmem:s20+$0x8400];
	[tilespmem:s21+$0x18410] =	vst v5;
	v4 =	vmul.f32 $3.200000000e+01, v4;
	(pc) =	sbr.rel @p1 .LBB2_7-.Ltmp2, $4  }
0x110: {  	v5 =	vld [tilespmem:s20+$0x8410];
	[tilespmem:s21+$0x18420] =	vst v3;
	v7 =	vmul.f32 $3.200000000e+01, v7  }
0x111: {  	v3 =	vld [tilespmem:s20+$0x8420];
	[tilespmem:s21+$0x18430] =	vst v4;
	v10 =	vmul.f32 $3.200000000e+01, v10  }
0x112: {  	s22 =	sadd.s32 $0x10, s22;
	s23 =	sadd.s32 $0x80, s23;
	v4 =	vld [tilespmem:s20+$0x8430];
	[tilespmem:s21+$0x18440] =	vst v7;
	v8 =	vmul.f32 $3.200000000e+01, v8  }
0x113: {  	s6 =	sand.u32 $0x2000, s23;
	s11 =	sand.u32 $0x1C00, s24;
	s24 =	sadd.s32 $0x400, s24;
	v7 =	vld [tilespmem:s20+$0x8440];
	v9 =	vmul.f32 $3.200000000e+01, v9;
	[tilespmem:s21+$0x18450] =	vst v10  }
0x114: {  	v10 =	vld [tilespmem:s20+$0x8450];
	[tilespmem:s21+$0x18460] =	vst v8;
	s6 =	sor.u32 s11, s6;
	s24 =	sand.u32 $0x380, s22;
	v6 =	vmul.f32 $3.200000000e+01, v6  }
0x115: {  	v8 =	vld [tilespmem:s20+$0x8460];
	s6 =	sor.u32 s24, s6;
	[tilespmem:s20+$0x18470] =	vst v9;
	v5 =	vmul.f32 $3.200000000e+01, v5  }
0x116: {  	v9 =	vld [tilespmem:s6+$0x8470];
	[tilespmem:s20+$0x18400] =	vst v6;
	v3 =	vmul.f32 $3.200000000e+01, v3  }
0x117: {  	v6 =	vld [tilespmem:s6+$0x8400];
	[tilespmem:s20+$0x18410] =	vst v5;
	v4 =	vmul.f32 $3.200000000e+01, v4  }
0x118: {  	v5 =	vld [tilespmem:s6+$0x8410];
	[tilespmem:s20+$0x18420] =	vst v3;
	v7 =	vmul.f32 $3.200000000e+01, v7  }
0x119: {  	v3 =	vld [tilespmem:s6+$0x8420];
	[tilespmem:s20+$0x18430] =	vst v4;
	v10 =	vmul.f32 $3.200000000e+01, v10  }
0x11a: {  	v4 =	vld [tilespmem:s6+$0x8430];
	[tilespmem:s20+$0x18440] =	vst v7;
	v8 =	vmul.f32 $3.200000000e+01, v8  }
0x11b: {  	v7 =	vld [tilespmem:s6+$0x8440];
	[tilespmem:s20+$0x18450] =	vst v10;
	v9 =	vmul.f32 $3.200000000e+01, v9  }
0x11c: {  	v10 =	vld [tilespmem:s6+$0x8450];
	v6 =	vmul.f32 $3.200000000e+01, v6;
	[tilespmem:s20+$0x18460] =	vst v8  }
0x11d: {  	v5 =	vmul.f32 $3.200000000e+01, v5;
	v8 =	vld [tilespmem:s6+$0x8460];
	[tilespmem:s6+$0x18470] =	vst v9  }
0x11e: {  	[tilespmem:s6+$0x18400] =	vst v6;
	v3 =	vmul.f32 $3.200000000e+01, v3  }
0x11f: {  	[tilespmem:s6+$0x18410] =	vst v5;
	v4 =	vmul.f32 $3.200000000e+01, v4  }
0x120: {  	[tilespmem:s6+$0x18420] =	vst v3;
	v3 =	vmul.f32 $3.200000000e+01, v7  }
0x121: {  	[tilespmem:s6+$0x18430] =	vst v4;
	v4 =	vmul.f32 $3.200000000e+01, v10  }
0x122: {  	[tilespmem:s6+$0x18440] =	vst v3;
	v3 =	vmul.f32 $3.200000000e+01, v8  }
0x123: {  	[tilespmem:s6+$0x18450] =	vst v4  }
0x124: {  	[tilespmem:s6+$0x18460] =	vst v3  }
0x125: {  	v3 =	vld @!p0 [tilespmem:s18+$0x60];
	_ =	sdelay $0x4  }
0x126: {  	v4 =	vshll.u32 @!p0 v3, $0x3  }
0x127: {  	v5 =	vlaneseq.u32 @!p0;
	v3 =	vand.u32 @!p0 $0x7, v3;
	v4 =	vand.u32 @!p0 $0xFFFFFFC0, v4  }
0x128: {  	v6 =	vshrl.u32 @!p0 v5, $0x3;
	v3 =	vor.u32 @!p0 v3, v4;
	v4 =	vand.u32 @!p0 $0x7, v5  }
0x129: {  	v6 =	vmul.u32 @!p0 $0x8, v6;
	v4 =	vperm.xlane @!p0 v3, v4;
	_ =	sdelay $0x1  }
0x12a: {  	v4 =	vadd.s32 @!p0 v6, v4;
	_ =	sdelay $0x3  }
0x12b: {  	s11 =	simm.s32 @!p0 $0x8400;
	s6 =	simm.s32 @!p0 $0x0  }
0x12c: {  	v5 =	vor.u32 @!p0 $0x8, v5;
	[tilespmem:s11], [sflag:$0x3] =	stream.indirect_vreg.gather @!p0 [hbm4b:s2+s6], $0x80, v4, vm1, $0xb8;
	[tilespmem:$0x1C400] =	vst v63  }
0x12d: {  	v3 =	vperm.xlane @!p0 v3, v5;
	s11 =	simm.s32 @!p0 $0x8C00  }
0x12e: {  	[tilespmem:s11], [sflag:$0x3] =	stream.indirect_vreg.gather @!p0 [hbm4b:s7+s6], $0x80, v4, vm1, $0xb8;
	[tilespmem:$0x1C400] =	vst v63  }
0x12f: {  	v3 =	vadd.s32 @!p0 v6, v3;
	s11 =	simm.s32 @!p0 $0x9400  }
0x130: {  	[tilespmem:s11], [sflag:$0x3] =	stream.indirect_vreg.gather @!p0 [hbm4b:s8+s6], $0x80, v4, vm1, $0xb8;
	[tilespmem:$0x1C400] =	vst v63  }
0x131: {  	s11 =	simm.s32 @!p0 $0x9C00  }
0x132: {  	[tilespmem:s11], [sflag:$0x3] =	stream.indirect_vreg.gather @!p0 [hbm4b:s9+s6], $0x80, v4, vm1, $0xb8;
	[tilespmem:$0x1C400] =	vst v63  }
0x133: {  	s11 =	simm.s32 @!p0 $0xA400  }
0x134: {  	[tilespmem:s11], [sflag:$0x3] =	stream.indirect_vreg.gather @!p0 [hbm4b:s2+s6], $0x80, v3, vm1, $0xb8;
	[tilespmem:$0x1C400] =	vst v63  }
0x135: {  	s11 =	simm.s32 @!p0 $0xAC00  }
0x136: {  	[tilespmem:s11], [sflag:$0x3] =	stream.indirect_vreg.gather @!p0 [hbm4b:s7+s6], $0x80, v3, vm1, $0xb8;
	[tilespmem:$0x1C400] =	vst v63  }
0x137: {  	s11 =	simm.s32 @!p0 $0xB400  }
0x138: {  	[tilespmem:s11], [sflag:$0x3] =	stream.indirect_vreg.gather @!p0 [hbm4b:s8+s6], $0x80, v3, vm1, $0xb8;
	[tilespmem:$0x1C400] =	vst v63  }
0x139: {  	s11 =	simm.s32 @!p0 $0xBC00  }
0x13a: {  	[tilespmem:s11], [sflag:$0x3] =	stream.indirect_vreg.gather @!p0 [hbm4b:s9+s6], $0x80, v3, vm1, $0xb8;
	[tilespmem:$0x1C400] =	vst v63  }
0x13b: {  	s21 =	sadd.s32 $0x1000, s19;
	s22 =	simm.s32 $0x0  }
0x13c: {  	[hbm4b:s21+s22] =	stream.linear.scatter [tilespmem:s31], [sflag:$0x7], $0x4000, $0x38;
	[tilespmem:$0x1C400] =	vst v63  }
0x13d: {  	_ =	swait.ge [sflag:s0], $0x4000  }
0x13e: {  	[sflag:s0] =	ssyncset.done $0x0  }
0x13f: {  	[sflag:s0] =	ssyncadd.s32 $0xFFFFC000  }
0x140: {  	s23 =	sand.u32 $0x2000, s22;
	s24 =	sand.u32 $0x1C00, s22;
	_ =	swait.ge [sflag:s1], $0x4000  }
0x141: {  	s6 =	sor.u32 s24, s23;
	s11 =	sand.u32 $0x380, s22;
	[sflag:s1] =	ssyncset.done $0x0  }
0x142: {  	s20 =	sor.u32 s11, s6;
	[sflag:s1] =	ssyncadd.s32 $0xFFFFC000  }
0x143: {  	v3 =	vld [tilespmem:s20+$0xC470]  }
0x144: {  	v4 =	vld [tilespmem:s20+$0xC400]  }
0x145: {  	v5 =	vld [tilespmem:s20+$0xC410]  }
0x146: {  	v7 =	vld [tilespmem:s20+$0xC420]  }
0x147: {  	s19 =	simm.s32 $0x400;
	s21 =	simm.s32 $0x80;
	v8 =	vld [tilespmem:s20+$0xC430]  }
0x148: {  	s6 =	sand.u32 $0x1C00, s19;
	s22 =	simm.s32 $0x10;
	s11 =	sand.u32 $0x2000, s21;
	v9 =	vld [tilespmem:s20+$0xC440];
	v3 =	vmul.f32 $3.200000000e+01, v3  }
0x149: {  	s23 =	sand.u32 $0x380, s22;
	s6 =	sor.u32 s6, s11;
	v10 =	vld [tilespmem:s20+$0xC450];
	v4 =	vmul.f32 $3.200000000e+01, v4  }
0x14a: {  	s19 =	sor.u32 s23, s6;
	v11 =	vld [tilespmem:s20+$0xC460];
	[tilespmem:s20+$0x14470] =	vst v3;
	v3 =	vmul.f32 $3.200000000e+01, v5  }
0x14b: {  	v12 =	vld [tilespmem:s19+$0xC470];
	[tilespmem:s20+$0x14400] =	vst v4;
	v4 =	vmul.f32 $3.200000000e+01, v7  }
0x14c: {  	v7 =	vmul.f32 $3.200000000e+01, v8;
	v6 =	vld [tilespmem:s19+$0xC400];
	[tilespmem:s20+$0x14410] =	vst v3  }
0x14d: {  	v8 =	vmul.f32 $3.200000000e+01, v9;
	v5 =	vld [tilespmem:s19+$0xC410];
	[tilespmem:s20+$0x14420] =	vst v4  }
0x14e: {  	v10 =	vmul.f32 $3.200000000e+01, v10;
	v3 =	vld [tilespmem:s19+$0xC420];
	[tilespmem:s20+$0x14430] =	vst v7  }
0x14f: {  	s24 =	simm.s32 $0x800;
	s21 =	simm.s32 $0x20;
	s22 =	simm.s32 $0x100;
	v4 =	vld [tilespmem:s19+$0xC430];
	[tilespmem:s20+$0x14440] =	vst v8;
	v8 =	vmul.f32 $3.200000000e+01, v11  }
0x150: {  	s11 =	sand.u32 $0x1C00, s24;
	s6 =	sand.u32 $0x2000, s22;
	s23 =	simm.s32 $0xC00;
	v7 =	vld [tilespmem:s19+$0xC440];
	v9 =	vmul.f32 $3.200000000e+01, v12;
	[tilespmem:s20+$0x14450] =	vst v10  }
.LBB2_9:
0x151: {  	p1 =	sne.s32 s23, $0x1FC00;
	s6 =	sor.u32 s11, s6;
	s11 =	sand.u32 $0x380, s21;
	v6 =	vmul.f32 $3.200000000e+01, v6;
	v10 =	vld [tilespmem:s19+$0xC450];
	[tilespmem:s20+$0x14460] =	vst v8  }
0x152: {  	s20 =	smov.u32 s19;
	v5 =	vmul.f32 $3.200000000e+01, v5;
	v8 =	vld [tilespmem:s19+$0xC460];
	[tilespmem:s19+$0x14470] =	vst v9;
	s19 =	sor.u32 s11, s6  }
0x153: {  	v9 =	vld [tilespmem:s19+$0xC470];
	[tilespmem:s20+$0x14400] =	vst v6;
	v3 =	vmul.f32 $3.200000000e+01, v3  }
.Ltmp3:
0x154: {  	v6 =	vld [tilespmem:s19+$0xC400];
	[tilespmem:s20+$0x14410] =	vst v5;
	v4 =	vmul.f32 $3.200000000e+01, v4;
	(pc) =	sbr.rel @p1 .LBB2_9-.Ltmp3, $4  }
0x155: {  	v5 =	vld [tilespmem:s19+$0xC410];
	[tilespmem:s20+$0x14420] =	vst v3;
	v7 =	vmul.f32 $3.200000000e+01, v7  }
0x156: {  	v3 =	vld [tilespmem:s19+$0xC420];
	[tilespmem:s20+$0x14430] =	vst v4;
	v10 =	vmul.f32 $3.200000000e+01, v10  }
0x157: {  	s21 =	sadd.s32 $0x10, s21;
	s22 =	sadd.s32 $0x80, s22;
	v4 =	vld [tilespmem:s19+$0xC430];
	[tilespmem:s20+$0x14440] =	vst v7;
	v8 =	vmul.f32 $3.200000000e+01, v8  }
0x158: {  	s6 =	sand.u32 $0x2000, s22;
	s11 =	sand.u32 $0x1C00, s23;
	s23 =	sadd.s32 $0x400, s23;
	v7 =	vld [tilespmem:s19+$0xC440];
	v9 =	vmul.f32 $3.200000000e+01, v9;
	[tilespmem:s20+$0x14450] =	vst v10  }
0x159: {  	v10 =	vld [tilespmem:s19+$0xC450];
	[tilespmem:s20+$0x14460] =	vst v8;
	s6 =	sor.u32 s11, s6;
	s22 =	sand.u32 $0x380, s21;
	v6 =	vmul.f32 $3.200000000e+01, v6  }
0x15a: {  	v8 =	vld [tilespmem:s19+$0xC460];
	s6 =	sor.u32 s22, s6;
	[tilespmem:s19+$0x14470] =	vst v9;
	v5 =	vmul.f32 $3.200000000e+01, v5  }
0x15b: {  	v9 =	vld [tilespmem:s6+$0xC470];
	[tilespmem:s19+$0x14400] =	vst v6;
	v3 =	vmul.f32 $3.200000000e+01, v3  }
0x15c: {  	v6 =	vld [tilespmem:s6+$0xC400];
	[tilespmem:s19+$0x14410] =	vst v5;
	v4 =	vmul.f32 $3.200000000e+01, v4  }
0x15d: {  	v5 =	vld [tilespmem:s6+$0xC410];
	[tilespmem:s19+$0x14420] =	vst v3;
	v7 =	vmul.f32 $3.200000000e+01, v7  }
0x15e: {  	v3 =	vld [tilespmem:s6+$0xC420];
	[tilespmem:s19+$0x14430] =	vst v4;
	v10 =	vmul.f32 $3.200000000e+01, v10  }
0x15f: {  	v4 =	vld [tilespmem:s6+$0xC430];
	[tilespmem:s19+$0x14440] =	vst v7;
	v8 =	vmul.f32 $3.200000000e+01, v8  }
0x160: {  	v7 =	vld [tilespmem:s6+$0xC440];
	[tilespmem:s19+$0x14450] =	vst v10;
	v9 =	vmul.f32 $3.200000000e+01, v9  }
0x161: {  	v10 =	vld [tilespmem:s6+$0xC450];
	v6 =	vmul.f32 $3.200000000e+01, v6;
	[tilespmem:s19+$0x14460] =	vst v8  }
0x162: {  	v5 =	vmul.f32 $3.200000000e+01, v5;
	v8 =	vld [tilespmem:s6+$0xC460];
	[tilespmem:s6+$0x14470] =	vst v9  }
0x163: {  	[tilespmem:s6+$0x14400] =	vst v6;
	v3 =	vmul.f32 $3.200000000e+01, v3  }
0x164: {  	[tilespmem:s6+$0x14410] =	vst v5;
	v4 =	vmul.f32 $3.200000000e+01, v4  }
0x165: {  	[tilespmem:s6+$0x14420] =	vst v3;
	v3 =	vmul.f32 $3.200000000e+01, v7  }
0x166: {  	[tilespmem:s6+$0x14430] =	vst v4;
	v63 =	vmul.f32 $3.200000000e+01, v10  }
0x167: {  	[tilespmem:s6+$0x14440] =	vst v3;
	v3 =	vmul.f32 $3.200000000e+01, v8  }
0x168: {  	[tilespmem:s6+$0x14450] =	vst v63  }
0x169: {  	[tilespmem:s6+$0x14460] =	vst v3  }
0x16a: {  	v3 =	vld @!p0 [tilespmem:s18+$0x70];
	_ =	sdelay $0x4  }
0x16b: {  	v4 =	vshll.u32 @!p0 v3, $0x3  }
0x16c: {  	v5 =	vlaneseq.u32 @!p0;
	v3 =	vand.u32 @!p0 $0x7, v3;
	v4 =	vand.u32 @!p0 $0xFFFFFFC0, v4  }
0x16d: {  	v6 =	vshrl.u32 @!p0 v5, $0x3;
	v3 =	vor.u32 @!p0 v3, v4;
	v4 =	vand.u32 @!p0 $0x7, v5  }
0x16e: {  	v6 =	vmul.u32 @!p0 $0x8, v6;
	v4 =	vperm.xlane @!p0 v3, v4;
	_ =	sdelay $0x1  }
0x16f: {  	v4 =	vadd.s32 @!p0 v6, v4;
	_ =	sdelay $0x3  }
0x170: {  	s11 =	simm.s32 @!p0 $0xC400;
	s6 =	simm.s32 @!p0 $0x0  }
0x171: {  	v5 =	vor.u32 @!p0 $0x8, v5;
	[tilespmem:s11], [sflag:$0x4] =	stream.indirect_vreg.gather @!p0 [hbm4b:s2+s6], $0x80, v4, vm1, $0xb8;
	[tilespmem:$0x1C400] =	vst v63  }
0x172: {  	v3 =	vperm.xlane @!p0 v3, v5;
	s11 =	simm.s32 @!p0 $0xCC00  }
0x173: {  	[tilespmem:s11], [sflag:$0x4] =	stream.indirect_vreg.gather @!p0 [hbm4b:s7+s6], $0x80, v4, vm1, $0xb8;
	[tilespmem:$0x1C400] =	vst v63  }
0x174: {  	v3 =	vadd.s32 @!p0 v6, v3;
	s11 =	simm.s32 @!p0 $0xD400  }
0x175: {  	[tilespmem:s11], [sflag:$0x4] =	stream.indirect_vreg.gather @!p0 [hbm4b:s8+s6], $0x80, v4, vm1, $0xb8;
	[tilespmem:$0x1C400] =	vst v63  }
0x176: {  	s11 =	simm.s32 @!p0 $0xDC00  }
0x177: {  	[tilespmem:s11], [sflag:$0x4] =	stream.indirect_vreg.gather @!p0 [hbm4b:s9+s6], $0x80, v4, vm1, $0xb8;
	[tilespmem:$0x1C400] =	vst v63  }
0x178: {  	s11 =	simm.s32 @!p0 $0xE400  }
0x179: {  	[tilespmem:s11], [sflag:$0x4] =	stream.indirect_vreg.gather @!p0 [hbm4b:s2+s6], $0x80, v3, vm1, $0xb8;
	[tilespmem:$0x1C400] =	vst v63  }
0x17a: {  	s11 =	simm.s32 @!p0 $0xEC00  }
0x17b: {  	[tilespmem:s11], [sflag:$0x4] =	stream.indirect_vreg.gather @!p0 [hbm4b:s7+s6], $0x80, v3, vm1, $0xb8;
	[tilespmem:$0x1C400] =	vst v63  }
0x17c: {  	s11 =	simm.s32 @!p0 $0xF400  }
0x17d: {  	[tilespmem:s11], [sflag:$0x4] =	stream.indirect_vreg.gather @!p0 [hbm4b:s8+s6], $0x80, v3, vm1, $0xb8;
	[tilespmem:$0x1C400] =	vst v63  }
0x17e: {  	s23 =	sor.u32 $0x30, s17;
	s17 =	simm.s32 @!p0 $0xFC00;
	s16 =	sadd.s32 $0x1, s16  }
0x17f: {  	[tilespmem:s17], [sflag:$0x4] =	stream.indirect_vreg.gather @!p0 [hbm4b:s9+s6], $0x80, v3, vm1, $0xb8;
	[tilespmem:$0x1C400] =	vst v63  }
0x180: {  	p0 =	sne.s32 s16, $0x10  }
.Ltmp4:
0x181: {  	_ = 	snop;
	(pc) =	sbr.rel @p0 .LBB2_2-.Ltmp4, $4  }
0x182: {  	s24 =	sadd.s32 s5, s23  }
0x183: {  	s6 =	sshll.u32 s24, $0x7  }
0x184: {  	s6 =	sadd.s32 s3, s6  }
0x185: {  	[hbm4b:s6+s4] =	stream.linear.scatter [tilespmem:s29], [sflag:$0x6], $0x4000, $0x38;
	[tilespmem:$0x1C400] =	vst v63  }
0x186: {  	_ =	swait.ge [sflag:s13], $0x4000  }
0x187: {  	[sflag:s13] =	ssyncset.done $0x0  }
0x188: {  	[sflag:s13] =	ssyncadd.s32 $0xFFFFC000  }
0x189: {  	_ =	swait.ge [sflag:s1], $0x4000  }
0x18a: {  	[sflag:s1] =	ssyncset.done $0x0  }
0x18b: {  	[sflag:s1] =	ssyncadd.s32 $0xFFFFC000  }
0x18c: {  	_ =	swait.ge [sflag:s14], $0x4000  }
0x18d: {  	s15 =	sadd.s32 $0x1, s15;
	s6 =	rddreg [dreg:$0x5]  }
0x18e: {  	p0 =	sne.s32 s15, s6  }
.Ltmp5:
0x18f: {  	_ = 	snop;
	(pc) =	sbr.rel @p0 .LBB2_1-.Ltmp5, $3  }
0x190: {  	_ =	sdelay $0x1  }
0x191: {  	[sflag:s14] =	ssyncset.done $0x0  }
0x192: {  	[sflag:s14] =	ssyncadd.s32 $0xFFFFC000  }
0x193: {  	_ =	sfence.sel $0x180000  }
0x194: {  	[bflag:$0x0] =	sbarrier.arrive $0xFFFF  }
0x195: {  	_ =	strace $0x90000047  }
0x196: {  	s0 =	stileid.u32;
	[bflag:$0x2] =	sbarrier.arrive $0xFFFF  }
0x197: {  	p0 =	sne.s32 s0, $0x0;
	s0 =	rddreg [dreg:$0x3]  }
0x198: {  	s0 =	sadd.s32 @!p0 $0x100000, s0  }
0x199: {  	[sflag:s0] =	ssyncadd.tile.s32 @!p0 $0x1;
	_ =	shalt  }
.Lfunc_end2:
_tile_overlayer_lowered:
.L_overlay_start_2:
0x19a: {  	(tag) =	ssettag $0x2  }
0x19b: {  	s0 =	rddreg [dreg:$0x0];
	s2 =	stileid.u32  }
0x19c: {  	s1 =	rddreg [dreg:$0x1];
	p0 =	sne.s32 s2, $0x0  }
0x19d: {  	s3 =	rddreg [dreg:$0x2];
	[bflag:$0x3] =	sbarrier.arrive $0xFFFF;
	s2 =	simm.s32 @!p0 $0x1C08  }
0x19e: {  	[timem:s3], [sflag:s2] =	dma.local @!p0 [hbm:s0], s1  }
0x19f: {  	s0 =	simm.s32 @!p0 $0x8  }
0x1a0: {  	_ =	swait.ge @!p0 [sflag:s0], s1  }
0x1a1: {  	s1 =	ssub.s32 @!p0 $0x0, s1;
	[sflag:s0] =	ssyncset.done @!p0 $0x0  }
0x1a2: {  	[sflag:s0] =	ssyncadd.s32 @!p0 s1  }
0x1a3: {  	[bflag:$0x3] =	sbarrier.arrive $0xFFFF  }
0x1a4: {  	_ =	shalt  }

</sc_bundles>
